<compile_context>
chip_gen: v7x
topology: tpu7x:2x2x1
jax: 0.10.2.dev20260603
libtpu: 0.0.44.dev20260713+nightly
codegen_flags: <defaults>
</compile_context>

<pallas_src>
import functools

import jax
import jax.numpy as jnp
from jax import lax
from jax.experimental import pallas as pl
from jax.experimental.pallas import tpu as pltpu
from jax.experimental.pallas import tpu_sc as plsc

VOCAB = 32128
DIM = 896
DIM2 = DIM // 2
DIMP2 = 512
DIMP = 2 * DIMP2
BATCH = 4096
SEQ = 128
EPS = 1.1920928955078125e-07

LANES = 16
NUM_WORKERS = 32
BPW = BATCH // NUM_WORKERS
HALF = BPW
CHUNK = 64
NBUF = SEQ // CHUNK
GROUPS = DIM2 // LANES


def _rne_bf16_bits(y):
    b = lax.bitcast_convert_type(y, jnp.int32)
    return lax.shift_right_logical(
        b + 0x7FFF + (lax.shift_right_logical(b, 16) & 1), 16)


def _proj_norm_body(nw_ref, emb_ref, w_ref, out_ref):
    x = emb_ref[...]
    y = lax.dot_general(x, w_ref[...], (((1,), (1,)), ((), ())),
                        preferred_element_type=jnp.float32)
    ms = jnp.mean(y * y, axis=1, keepdims=True)
    yn = y * lax.rsqrt(ms + EPS) * nw_ref[...]
    lo = _rne_bf16_bits(yn[:, :DIM2]) & 0xFFFF
    hi = lax.shift_left(_rne_bf16_bits(yn[:, DIM2:]), 16)
    out_ref[:, :DIM2] = lo | hi


def _projected_table(embed_table, proj_w, norm_w):
    blk = 1024
    return pl.pallas_call(
        _proj_norm_body,
        grid=(pl.cdiv(VOCAB, blk),),
        in_specs=[
            pl.BlockSpec((1, DIM), lambda i: (0, 0)),
            pl.BlockSpec((blk, DIM), lambda i: (i, 0)),
            pl.BlockSpec((DIM, DIM), lambda i: (0, 0)),
        ],
        out_specs=pl.BlockSpec((blk, DIMP2), lambda i: (i, 0)),
        out_shape=jax.ShapeDtypeStruct((VOCAB, DIMP2), jnp.int32),
    )(norm_w.reshape(1, DIM), embed_table, proj_w)


def _pool_body(tok_hbm, ntab_hbm, out_hbm,
               tok_v, bufs, acc_v, pair_v, sems, osem):
    wid = lax.axis_index("s") * 2 + lax.axis_index("c")
    base = wid * BPW

    def gstart(row, h, buf, sem):
        idx = tok_v.at[row, pl.ds(h * CHUNK, CHUNK)]
        pltpu.make_async_copy(ntab_hbm.at[idx], buf, sem).start()

    def gwait(buf, sem):
        idx = tok_v.at[0, pl.ds(0, CHUNK)]
        pltpu.make_async_copy(ntab_hbm.at[idx], buf, sem).wait()

    def accum(buf, slot, h):
        def group_body(c, _):
            sl = pl.ds(c * LANES, LANES)

            z = jnp.zeros((LANES,), jnp.float32)
            acc8 = [z] * 8
            for j in range(CHUNK):
                x = buf[j, sl]
                t = j % 4
                acc8[2 * t] = acc8[2 * t] + plsc.bitcast(
                    lax.shift_left(x, 16), jnp.float32)
                acc8[2 * t + 1] = acc8[2 * t + 1] + plsc.bitcast(x, jnp.float32)
            ae = (acc8[0] + acc8[2]) + (acc8[4] + acc8[6])
            ao = (acc8[1] + acc8[3]) + (acc8[5] + acc8[7])
            if h == 0:
                pair_v[slot, 0, sl] = ae
                pair_v[slot, 1, sl] = ao
            elif h < NBUF - 1:
                pair_v[slot, 0, sl] = pair_v[slot, 0, sl] + ae
                pair_v[slot, 1, sl] = pair_v[slot, 1, sl] + ao
            else:
                acc_v[slot, sl] = (pair_v[slot, 0, sl] + ae) * (1.0 / SEQ)
                acc_v[slot, pl.ds(DIM2 + c * LANES, LANES)] = (
                    (pair_v[slot, 1, sl] + ao) * (1.0 / SEQ))
            return 0

        lax.fori_loop(0, GROUPS, group_body, 0)

    for p in range(BPW // HALF):
        prow = base + p * HALF
        pltpu.sync_copy(tok_hbm.at[pl.ds(prow, HALF)], tok_v)
        for h in range(NBUF):
            gstart(0, h, bufs[h], sems[h])

        def row_body(g, _):
            slot = lax.rem(g, 2)

            @pl.when(g >= 2)
            def _():
                pltpu.make_async_copy(acc_v.at[slot], out_hbm.at[prow], osem).wait()

            for h in range(NBUF):
                gwait(bufs[h], sems[h])
                accum(bufs[h], slot, h)

                @pl.when(g < HALF - 1)
                def _(h=h):
                    gstart(g + 1, h, bufs[h], sems[h])

            pltpu.make_async_copy(acc_v.at[slot], out_hbm.at[prow + g], osem).start()
            return 0

        lax.fori_loop(0, HALF, row_body, 0)
        pltpu.make_async_copy(acc_v.at[0], out_hbm.at[prow], osem).wait()
        pltpu.make_async_copy(acc_v.at[1], out_hbm.at[prow], osem).wait()


def _pool_entry(tok_hbm, ntab_hbm, out_hbm, tok_v, *rest):
    bufs, acc_v, pair_v, sems, osem = (
        rest[:NBUF], rest[NBUF], rest[NBUF + 1], rest[NBUF + 2:-1], rest[-1])
    _pool_body(tok_hbm, ntab_hbm, out_hbm, tok_v, bufs, acc_v, pair_v,
               sems, osem)


def _pooled_lookup(tokens, ntab_packed):
    mesh = plsc.VectorSubcoreMesh(core_axis_name="c", subcore_axis_name="s")
    run = functools.partial(
        pl.kernel, mesh=mesh,
        compiler_params=pltpu.CompilerParams(needs_layout_passes=False),
        out_type=jax.ShapeDtypeStruct((BATCH, DIM), jnp.float32),
        scratch_types=(
            [pltpu.VMEM((HALF, SEQ), jnp.int32)]
            + [pltpu.VMEM((CHUNK, DIMP2), jnp.int32) for _ in range(NBUF)]
            + [pltpu.VMEM((2, DIM), jnp.float32),
               pltpu.VMEM((2, 2, DIM2), jnp.float32)]
            + [pltpu.SemaphoreType.DMA for _ in range(NBUF + 1)]
        ),
    )(_pool_entry)
    return run(tokens, ntab_packed)


def kernel(tokens, embed_table, proj_w, norm_w):
    return _pooled_lookup(tokens, _projected_table(embed_table, proj_w, norm_w))

# --- scband reference (transcript-rebuilt; emitter-appended) ---
"""Pipeline reference for scband-text-embed-23545010717416 (READ-ONLY COPY).

The authoritative reference and input builder live on the scoring server;
editing this copy changes nothing except your own understanding.
"""

import jax, jax.numpy as jnp
import numpy as np

VOCAB = 32128
DIM = 896
B = 4096
L = 128
EPS = 1.1920928955078125e-07  # torch.finfo(float32).eps, RMSNorm default eps=None


def setup_inputs(seed: int = 0) -> dict:
    key = jax.random.key(seed)
    k1, k2, k3 = jax.random.split(key, 3)
    tokens = jax.random.randint(k1, (B, L), 0, VOCAB, dtype=jnp.int32)
    embed_table = jax.random.normal(k2, (VOCAB, DIM), dtype=jnp.float32) * 0.02
    proj_w = jax.random.normal(k3, (DIM, DIM), dtype=jnp.float32) * (1.0 / np.sqrt(DIM))
    norm_w = jnp.ones((DIM,), dtype=jnp.float32)
    return {"tokens": tokens, "embed_table": embed_table, "proj_w": proj_w, "norm_w": norm_w}


def reference(tokens, embed_table, proj_w, norm_w):
    # nn.Embedding lookup (gather)
    x = jnp.take(embed_table, tokens, axis=0)          # [B, L, DIM]
    # nn.Linear(dim, dim, bias=False): x @ W.T
    x = jnp.einsum("bld,ed->ble", x, proj_w)           # [B, L, DIM]
    # nn.RMSNorm(dim): x / sqrt(mean(x^2) + eps) * weight
    ms = jnp.mean(jnp.square(x), axis=-1, keepdims=True)
    x = x * jax.lax.rsqrt(ms + EPS) * norm_w
    # mean over sequence dim
    return jnp.mean(x, axis=1)                          # [B, DIM]

if __name__ == "__main__":
    import jax
    _d = setup_inputs()
    print(jax.jit(kernel)(*tuple(_d.values())))

</pallas_src>

<mosaic_0001>
#map = affine_map<(d0, d1) -> (0, 0)>
module attributes {stable_mosaic.version = 14 : i64} {
  func.func @_pool_entry(%arg0: i32, %arg1: i32, %arg2: memref<4096x128xi32, #tpu.memory_space<hbm>>, %arg3: memref<32128x512xi32, #tpu.memory_space<hbm>>, %arg4: memref<4096x896xf32, #tpu.memory_space<hbm>>, %arg5: memref<128x128xi32, #tpu.memory_space<vmem>>, %arg6: memref<64x512xi32, #tpu.memory_space<vmem>>, %arg7: memref<64x512xi32, #tpu.memory_space<vmem>>, %arg8: memref<2x896xf32, #tpu.memory_space<vmem>>, %arg9: memref<2x2x448xf32, #tpu.memory_space<vmem>>, %arg10: memref<!tpu.dma_semaphore, #tpu.memory_space<semaphore_mem>>, %arg11: memref<!tpu.dma_semaphore, #tpu.memory_space<semaphore_mem>>, %arg12: memref<!tpu.dma_semaphore, #tpu.memory_space<semaphore_mem>>) attributes {dimension_semantics = [#tpu.dimension_semantics<core_parallel>, #tpu.dimension_semantics<subcore_parallel>], iteration_bounds = array<i64: 2, 16>, scalar_prefetch = 0 : i64, scratch_operands = 8 : i64, tpu.core_type = #tpu.core_type<sc_vector_subcore>, window_params = [{transform_indices = #map}, {transform_indices = #map}, {transform_indices = #map}]} {
    %mul3A = arith.constant 2 : i32
    %mul3A_0 = arith.muli %arg1, %mul3A : i32
    %add3A = arith.addi %mul3A_0, %arg0 : i32
    %mul3A_1 = arith.constant 128 : i32
    %mul3A_2 = arith.muli %add3A, %mul3A_1 : i32
    %add3A_3 = arith.constant 0 : i32
    %add3A_4 = arith.addi %mul3A_2, %add3A_3 : i32
    "tpu.region"() ({
      %run_scoped3A = tpu.sem_alloc : memref<!tpu.dma_semaphore, #tpu.memory_space<semaphore_mem>>
      %dma_start3A_49 = arith.constant 0 : i32
      %dma_start3A_50 = tpu.memref_slice %arg2[%add3A_4, %dma_start3A_49] : memref<4096x128xi32, #tpu.memory_space<hbm>> -> memref<128x128xi32, #tpu.memory_space<hbm>>
      %dma_start3A_51 = arith.constant 0 : i32
      %dma_start3A_52 = tpu.memref_slice %arg2[%add3A_4, %dma_start3A_51] : memref<4096x128xi32, #tpu.memory_space<hbm>> -> memref<128x128xi32, #tpu.memory_space<hbm>>
      tpu.enqueue_dma source(%dma_start3A_52 : memref<128x128xi32, #tpu.memory_space<hbm>>) target(%arg5 : memref<128x128xi32, #tpu.memory_space<vmem>>) target_semaphore(%run_scoped3A : memref<!tpu.dma_semaphore, #tpu.memory_space<semaphore_mem>>)
      %dma_wait3A_53 = arith.constant 0 : i32
      %dma_wait3A_54 = tpu.memref_slice %arg2[%add3A_4, %dma_wait3A_53] : memref<4096x128xi32, #tpu.memory_space<hbm>> -> memref<128x128xi32, #tpu.memory_space<hbm>>
      %dma_wait3A_55 = arith.constant 0 : i32
      %dma_wait3A_56 = tpu.memref_slice %arg2[%add3A_4, %dma_wait3A_55] : memref<4096x128xi32, #tpu.memory_space<hbm>> -> memref<128x128xi32, #tpu.memory_space<hbm>>
      tpu.wait_dma2 semaphore(%run_scoped3A : memref<!tpu.dma_semaphore, #tpu.memory_space<semaphore_mem>>) src(%dma_wait3A_56 : memref<128x128xi32, #tpu.memory_space<hbm>>) dst(%arg5 : memref<128x128xi32, #tpu.memory_space<vmem>>)
      tpu.yield
    }) : () -> ()
    %dma_start3A = arith.constant 0 : i32
    %dma_start3A_5 = arith.constant 0 : i32
    %dma_start3A_6 = tpu.memref_slice %arg5[%dma_start3A, %dma_start3A_5] : memref<128x128xi32, #tpu.memory_space<vmem>> -> memref<1x64xi32, #tpu.memory_space<vmem>>
    %dma_start3A_7 = tpu.memref_squeeze %dma_start3A_6 : memref<1x64xi32, #tpu.memory_space<vmem>> -> memref<64xi32, #tpu.memory_space<vmem>>
    %dma_start3A_8 = arith.constant 0 : i32
    %dma_start3A_9 = arith.constant 0 : i32
    %dma_start3A_10 = tpu.memref_slice %arg3[%dma_start3A_8, %dma_start3A_9] : memref<32128x512xi32, #tpu.memory_space<hbm>> -> memref<32128x512xi32, #tpu.memory_space<hbm>>
    tpu.enqueue_indirect_dma source(%dma_start3A_10 : memref<32128x512xi32, #tpu.memory_space<hbm>>) target(%arg6 : memref<64x512xi32, #tpu.memory_space<vmem>>) offsets(%dma_start3A_7 : memref<64xi32, #tpu.memory_space<vmem>>) semaphore(%arg10 : memref<!tpu.dma_semaphore, #tpu.memory_space<semaphore_mem>>)
    %dma_start3A_11 = arith.constant 0 : i32
    %dma_start3A_12 = arith.constant 64 : i32
    %dma_start3A_13 = tpu.memref_slice %arg5[%dma_start3A_11, %dma_start3A_12] : memref<128x128xi32, #tpu.memory_space<vmem>> -> memref<1x64xi32, #tpu.memory_space<vmem>>
    %dma_start3A_14 = tpu.memref_squeeze %dma_start3A_13 : memref<1x64xi32, #tpu.memory_space<vmem>> -> memref<64xi32, #tpu.memory_space<vmem>>
    %dma_start3A_15 = arith.constant 0 : i32
    %dma_start3A_16 = arith.constant 0 : i32
    %dma_start3A_17 = tpu.memref_slice %arg3[%dma_start3A_15, %dma_start3A_16] : memref<32128x512xi32, #tpu.memory_space<hbm>> -> memref<32128x512xi32, #tpu.memory_space<hbm>>
    tpu.enqueue_indirect_dma source(%dma_start3A_17 : memref<32128x512xi32, #tpu.memory_space<hbm>>) target(%arg7 : memref<64x512xi32, #tpu.memory_space<vmem>>) offsets(%dma_start3A_14 : memref<64xi32, #tpu.memory_space<vmem>>) semaphore(%arg11 : memref<!tpu.dma_semaphore, #tpu.memory_space<semaphore_mem>>)
    %scan3A = arith.constant 0 : i32
    %scan3A_18 = arith.constant 0 : i32
    %scan3A_19 = arith.constant 128 : i32
    %scan3A_20 = arith.addi %scan3A_18, %scan3A_19 : i32
    %scan3A_21 = arith.constant 1 : i32
    %scan3A_22 = scf.for %scan3A_49 = %scan3A_18 to %scan3A_20 step %scan3A_21 iter_args(%scan3A_50 = %scan3A) -> (i32)  : i32 {
      %rem3A = arith.constant 2 : i32
      %rem3A_51 = arith.remsi %scan3A_49, %rem3A : i32
      %ge3A = arith.constant 2 : i32
      %ge3A_52 = arith.cmpi sge, %scan3A_49, %ge3A : i32
      %convert_element_type3A = arith.extui %ge3A_52 : i1 to i32
      %cond3A = arith.constant 0 : i32
      %cond3A_53 = arith.cmpi ne, %convert_element_type3A, %cond3A : i32
      scf.if %cond3A_53 {
        %dma_wait3A_105 = arith.constant 0 : i32
        %dma_wait3A_106 = tpu.memref_slice %arg8[%rem3A_51, %dma_wait3A_105] : memref<2x896xf32, #tpu.memory_space<vmem>> -> memref<1x896xf32, #tpu.memory_space<vmem>>
        %dma_wait3A_107 = tpu.memref_squeeze %dma_wait3A_106 : memref<1x896xf32, #tpu.memory_space<vmem>> -> memref<896xf32, #tpu.memory_space<vmem>>
        %dma_wait3A_108 = arith.constant 0 : i32
        %dma_wait3A_109 = tpu.memref_slice %arg4[%add3A_4, %dma_wait3A_108] : memref<4096x896xf32, #tpu.memory_space<hbm>> -> memref<1x896xf32, #tpu.memory_space<hbm>>
        %dma_wait3A_110 = tpu.memref_squeeze %dma_wait3A_109 : memref<1x896xf32, #tpu.memory_space<hbm>> -> memref<896xf32, #tpu.memory_space<hbm>>
        %dma_wait3A_111 = arith.constant 0 : i32
        %dma_wait3A_112 = tpu.memref_slice %arg4[%add3A_4, %dma_wait3A_111] : memref<4096x896xf32, #tpu.memory_space<hbm>> -> memref<1x896xf32, #tpu.memory_space<hbm>>
        %dma_wait3A_113 = tpu.memref_squeeze %dma_wait3A_112 : memref<1x896xf32, #tpu.memory_space<hbm>> -> memref<896xf32, #tpu.memory_space<hbm>>
        %dma_wait3A_114 = arith.constant 0 : i32
        %dma_wait3A_115 = tpu.memref_slice %arg8[%rem3A_51, %dma_wait3A_114] : memref<2x896xf32, #tpu.memory_space<vmem>> -> memref<1x896xf32, #tpu.memory_space<vmem>>
        %dma_wait3A_116 = tpu.memref_squeeze %dma_wait3A_115 : memref<1x896xf32, #tpu.memory_space<vmem>> -> memref<896xf32, #tpu.memory_space<vmem>>
        tpu.wait_dma2 semaphore(%arg12 : memref<!tpu.dma_semaphore, #tpu.memory_space<semaphore_mem>>) src(%dma_wait3A_116 : memref<896xf32, #tpu.memory_space<vmem>>) dst(%dma_wait3A_113 : memref<896xf32, #tpu.memory_space<hbm>>)
      } else {
      }
      %dma_wait3A_54 = arith.constant 0 : i32
      %dma_wait3A_55 = arith.constant 0 : i32
      %dma_wait3A_56 = tpu.memref_slice %arg5[%dma_wait3A_54, %dma_wait3A_55] : memref<128x128xi32, #tpu.memory_space<vmem>> -> memref<1x64xi32, #tpu.memory_space<vmem>>
      %dma_wait3A_57 = tpu.memref_squeeze %dma_wait3A_56 : memref<1x64xi32, #tpu.memory_space<vmem>> -> memref<64xi32, #tpu.memory_space<vmem>>
      %dma_wait3A_58 = arith.constant 0 : i32
      %dma_wait3A_59 = arith.constant 0 : i32
      %dma_wait3A_60 = tpu.memref_slice %arg3[%dma_wait3A_58, %dma_wait3A_59] : memref<32128x512xi32, #tpu.memory_space<hbm>> -> memref<32128x512xi32, #tpu.memory_space<hbm>>
      tpu.wait_indirect_dma semaphore(%arg10 : memref<!tpu.dma_semaphore, #tpu.memory_space<semaphore_mem>>) src(%dma_wait3A_60 : memref<32128x512xi32, #tpu.memory_space<hbm>>) dst(%arg6 : memref<64x512xi32, #tpu.memory_space<vmem>>)
      %scan3A_61 = arith.constant 0 : i32
      %scan3A_62 = arith.constant 0 : i32
      %scan3A_63 = arith.constant 28 : i32
      %scan3A_64 = arith.addi %scan3A_62, %scan3A_63 : i32
      %scan3A_65 = arith.constant 1 : i32
      %scan3A_66 = scf.for %scan3A_105 = %scan3A_62 to %scan3A_64 step %scan3A_65 iter_args(%scan3A_106 = %scan3A_61) -> (i32)  : i32 {
        %mul3A_107 = arith.constant 16 : i32
        %mul3A_108 = arith.muli %scan3A_105, %mul3A_107 : i32
        %broadcast_in_dim3A = arith.constant 0.000000e+00 : f32
        %broadcast_in_dim3A_109 = vector.broadcast %broadcast_in_dim3A : f32 to vector<16xf32>
        %get3A = arith.constant 0 : i32
        %get3A_110 = arith.index_cast %get3A : i32 to index
        %get3A_111 = arith.index_cast %mul3A_108 : i32 to index
        %get3A_112 = tpu.vector_load %arg6[%get3A_110, %get3A_111] {strides = array<i32>} : memref<64x512xi32, #tpu.memory_space<vmem>>, vector<16xi32>,
        %shift_left3A = arith.constant 16 : i32
        %shift_left3A_113 = vector.broadcast %shift_left3A : i32 to vector<16xi32>
        %shift_left3A_114 = arith.shli %get3A_112, %shift_left3A_113 : vector<16xi32>
        %bitcast3A = vector.bitcast %shift_left3A_114 : vector<16xi32> to vector<16xf32>
        %add3A_115 = arith.addf %broadcast_in_dim3A_109, %bitcast3A : vector<16xf32>
        %bitcast3A_116 = vector.bitcast %get3A_112 : vector<16xi32> to vector<16xf32>
        %add3A_117 = arith.addf %broadcast_in_dim3A_109, %bitcast3A_116 : vector<16xf32>
        %get3A_118 = arith.constant 1 : i32
        %get3A_119 = arith.index_cast %get3A_118 : i32 to index
        %get3A_120 = arith.index_cast %mul3A_108 : i32 to index
        %get3A_121 = tpu.vector_load %arg6[%get3A_119, %get3A_120] {strides = array<i32>} : memref<64x512xi32, #tpu.memory_space<vmem>>, vector<16xi32>,
        %shift_left3A_122 = arith.constant 16 : i32
        %shift_left3A_123 = vector.broadcast %shift_left3A_122 : i32 to vector<16xi32>
        %shift_left3A_124 = arith.shli %get3A_121, %shift_left3A_123 : vector<16xi32>
        %bitcast3A_125 = vector.bitcast %shift_left3A_124 : vector<16xi32> to vector<16xf32>
        %add3A_126 = arith.addf %broadcast_in_dim3A_109, %bitcast3A_125 : vector<16xf32>
        %bitcast3A_127 = vector.bitcast %get3A_121 : vector<16xi32> to vector<16xf32>
        %add3A_128 = arith.addf %broadcast_in_dim3A_109, %bitcast3A_127 : vector<16xf32>
        %get3A_129 = arith.constant 2 : i32
        %get3A_130 = arith.index_cast %get3A_129 : i32 to index
        %get3A_131 = arith.index_cast %mul3A_108 : i32 to index
        %get3A_132 = tpu.vector_load %arg6[%get3A_130, %get3A_131] {strides = array<i32>} : memref<64x512xi32, #tpu.memory_space<vmem>>, vector<16xi32>,
        %shift_left3A_133 = arith.constant 16 : i32
        %shift_left3A_134 = vector.broadcast %shift_left3A_133 : i32 to vector<16xi32>
        %shift_left3A_135 = arith.shli %get3A_132, %shift_left3A_134 : vector<16xi32>
        %bitcast3A_136 = vector.bitcast %shift_left3A_135 : vector<16xi32> to vector<16xf32>
        %add3A_137 = arith.addf %broadcast_in_dim3A_109, %bitcast3A_136 : vector<16xf32>
        %bitcast3A_138 = vector.bitcast %get3A_132 : vector<16xi32> to vector<16xf32>
        %add3A_139 = arith.addf %broadcast_in_dim3A_109, %bitcast3A_138 : vector<16xf32>
        %get3A_140 = arith.constant 3 : i32
        %get3A_141 = arith.index_cast %get3A_140 : i32 to index
        %get3A_142 = arith.index_cast %mul3A_108 : i32 to index
        %get3A_143 = tpu.vector_load %arg6[%get3A_141, %get3A_142] {strides = array<i32>} : memref<64x512xi32, #tpu.memory_space<vmem>>, vector<16xi32>,
        %shift_left3A_144 = arith.constant 16 : i32
        %shift_left3A_145 = vector.broadcast %shift_left3A_144 : i32 to vector<16xi32>
        %shift_left3A_146 = arith.shli %get3A_143, %shift_left3A_145 : vector<16xi32>
        %bitcast3A_147 = vector.bitcast %shift_left3A_146 : vector<16xi32> to vector<16xf32>
        %add3A_148 = arith.addf %broadcast_in_dim3A_109, %bitcast3A_147 : vector<16xf32>
        %bitcast3A_149 = vector.bitcast %get3A_143 : vector<16xi32> to vector<16xf32>
        %add3A_150 = arith.addf %broadcast_in_dim3A_109, %bitcast3A_149 : vector<16xf32>
        %get3A_151 = arith.constant 4 : i32
        %get3A_152 = arith.index_cast %get3A_151 : i32 to index
        %get3A_153 = arith.index_cast %mul3A_108 : i32 to index
        %get3A_154 = tpu.vector_load %arg6[%get3A_152, %get3A_153] {strides = array<i32>} : memref<64x512xi32, #tpu.memory_space<vmem>>, vector<16xi32>,
        %shift_left3A_155 = arith.constant 16 : i32
        %shift_left3A_156 = vector.broadcast %shift_left3A_155 : i32 to vector<16xi32>
        %shift_left3A_157 = arith.shli %get3A_154, %shift_left3A_156 : vector<16xi32>
        %bitcast3A_158 = vector.bitcast %shift_left3A_157 : vector<16xi32> to vector<16xf32>
        %add3A_159 = arith.addf %add3A_115, %bitcast3A_158 : vector<16xf32>
        %bitcast3A_160 = vector.bitcast %get3A_154 : vector<16xi32> to vector<16xf32>
        %add3A_161 = arith.addf %add3A_117, %bitcast3A_160 : vector<16xf32>
        %get3A_162 = arith.constant 5 : i32
        %get3A_163 = arith.index_cast %get3A_162 : i32 to index
        %get3A_164 = arith.index_cast %mul3A_108 : i32 to index
        %get3A_165 = tpu.vector_load %arg6[%get3A_163, %get3A_164] {strides = array<i32>} : memref<64x512xi32, #tpu.memory_space<vmem>>, vector<16xi32>,
        %shift_left3A_166 = arith.constant 16 : i32
        %shift_left3A_167 = vector.broadcast %shift_left3A_166 : i32 to vector<16xi32>
        %shift_left3A_168 = arith.shli %get3A_165, %shift_left3A_167 : vector<16xi32>
        %bitcast3A_169 = vector.bitcast %shift_left3A_168 : vector<16xi32> to vector<16xf32>
        %add3A_170 = arith.addf %add3A_126, %bitcast3A_169 : vector<16xf32>
        %bitcast3A_171 = vector.bitcast %get3A_165 : vector<16xi32> to vector<16xf32>
        %add3A_172 = arith.addf %add3A_128, %bitcast3A_171 : vector<16xf32>
        %get3A_173 = arith.constant 6 : i32
        %get3A_174 = arith.index_cast %get3A_173 : i32 to index
        %get3A_175 = arith.index_cast %mul3A_108 : i32 to index
        %get3A_176 = tpu.vector_load %arg6[%get3A_174, %get3A_175] {strides = array<i32>} : memref<64x512xi32, #tpu.memory_space<vmem>>, vector<16xi32>,
        %shift_left3A_177 = arith.constant 16 : i32
        %shift_left3A_178 = vector.broadcast %shift_left3A_177 : i32 to vector<16xi32>
        %shift_left3A_179 = arith.shli %get3A_176, %shift_left3A_178 : vector<16xi32>
        %bitcast3A_180 = vector.bitcast %shift_left3A_179 : vector<16xi32> to vector<16xf32>
        %add3A_181 = arith.addf %add3A_137, %bitcast3A_180 : vector<16xf32>
        %bitcast3A_182 = vector.bitcast %get3A_176 : vector<16xi32> to vector<16xf32>
        %add3A_183 = arith.addf %add3A_139, %bitcast3A_182 : vector<16xf32>
        %get3A_184 = arith.constant 7 : i32
        %get3A_185 = arith.index_cast %get3A_184 : i32 to index
        %get3A_186 = arith.index_cast %mul3A_108 : i32 to index
        %get3A_187 = tpu.vector_load %arg6[%get3A_185, %get3A_186] {strides = array<i32>} : memref<64x512xi32, #tpu.memory_space<vmem>>, vector<16xi32>,
        %shift_left3A_188 = arith.constant 16 : i32
        %shift_left3A_189 = vector.broadcast %shift_left3A_188 : i32 to vector<16xi32>
        %shift_left3A_190 = arith.shli %get3A_187, %shift_left3A_189 : vector<16xi32>
        %bitcast3A_191 = vector.bitcast %shift_left3A_190 : vector<16xi32> to vector<16xf32>
        %add3A_192 = arith.addf %add3A_148, %bitcast3A_191 : vector<16xf32>
        %bitcast3A_193 = vector.bitcast %get3A_187 : vector<16xi32> to vector<16xf32>
        %add3A_194 = arith.addf %add3A_150, %bitcast3A_193 : vector<16xf32>
        %get3A_195 = arith.constant 8 : i32
        %get3A_196 = arith.index_cast %get3A_195 : i32 to index
        %get3A_197 = arith.index_cast %mul3A_108 : i32 to index
        %get3A_198 = tpu.vector_load %arg6[%get3A_196, %get3A_197] {strides = array<i32>} : memref<64x512xi32, #tpu.memory_space<vmem>>, vector<16xi32>,
        %shift_left3A_199 = arith.constant 16 : i32
        %shift_left3A_200 = vector.broadcast %shift_left3A_199 : i32 to vector<16xi32>
        %shift_left3A_201 = arith.shli %get3A_198, %shift_left3A_200 : vector<16xi32>
        %bitcast3A_202 = vector.bitcast %shift_left3A_201 : vector<16xi32> to vector<16xf32>
        %add3A_203 = arith.addf %add3A_159, %bitcast3A_202 : vector<16xf32>
        %bitcast3A_204 = vector.bitcast %get3A_198 : vector<16xi32> to vector<16xf32>
        %add3A_205 = arith.addf %add3A_161, %bitcast3A_204 : vector<16xf32>
        %get3A_206 = arith.constant 9 : i32
        %get3A_207 = arith.index_cast %get3A_206 : i32 to index
        %get3A_208 = arith.index_cast %mul3A_108 : i32 to index
        %get3A_209 = tpu.vector_load %arg6[%get3A_207, %get3A_208] {strides = array<i32>} : memref<64x512xi32, #tpu.memory_space<vmem>>, vector<16xi32>,
        %shift_left3A_210 = arith.constant 16 : i32
        %shift_left3A_211 = vector.broadcast %shift_left3A_210 : i32 to vector<16xi32>
        %shift_left3A_212 = arith.shli %get3A_209, %shift_left3A_211 : vector<16xi32>
        %bitcast3A_213 = vector.bitcast %shift_left3A_212 : vector<16xi32> to vector<16xf32>
        %add3A_214 = arith.addf %add3A_170, %bitcast3A_213 : vector<16xf32>
        %bitcast3A_215 = vector.bitcast %get3A_209 : vector<16xi32> to vector<16xf32>
        %add3A_216 = arith.addf %add3A_172, %bitcast3A_215 : vector<16xf32>
        %get3A_217 = arith.constant 10 : i32
        %get3A_218 = arith.index_cast %get3A_217 : i32 to index
        %get3A_219 = arith.index_cast %mul3A_108 : i32 to index
        %get3A_220 = tpu.vector_load %arg6[%get3A_218, %get3A_219] {strides = array<i32>} : memref<64x512xi32, #tpu.memory_space<vmem>>, vector<16xi32>,
        %shift_left3A_221 = arith.constant 16 : i32
        %shift_left3A_222 = vector.broadcast %shift_left3A_221 : i32 to vector<16xi32>
        %shift_left3A_223 = arith.shli %get3A_220, %shift_left3A_222 : vector<16xi32>
        %bitcast3A_224 = vector.bitcast %shift_left3A_223 : vector<16xi32> to vector<16xf32>
        %add3A_225 = arith.addf %add3A_181, %bitcast3A_224 : vector<16xf32>
        %bitcast3A_226 = vector.bitcast %get3A_220 : vector<16xi32> to vector<16xf32>
        %add3A_227 = arith.addf %add3A_183, %bitcast3A_226 : vector<16xf32>
        %get3A_228 = arith.constant 11 : i32
        %get3A_229 = arith.index_cast %get3A_228 : i32 to index
        %get3A_230 = arith.index_cast %mul3A_108 : i32 to index
        %get3A_231 = tpu.vector_load %arg6[%get3A_229, %get3A_230] {strides = array<i32>} : memref<64x512xi32, #tpu.memory_space<vmem>>, vector<16xi32>,
        %shift_left3A_232 = arith.constant 16 : i32
        %shift_left3A_233 = vector.broadcast %shift_left3A_232 : i32 to vector<16xi32>
        %shift_left3A_234 = arith.shli %get3A_231, %shift_left3A_233 : vector<16xi32>
        %bitcast3A_235 = vector.bitcast %shift_left3A_234 : vector<16xi32> to vector<16xf32>
        %add3A_236 = arith.addf %add3A_192, %bitcast3A_235 : vector<16xf32>
        %bitcast3A_237 = vector.bitcast %get3A_231 : vector<16xi32> to vector<16xf32>
        %add3A_238 = arith.addf %add3A_194, %bitcast3A_237 : vector<16xf32>
        %get3A_239 = arith.constant 12 : i32
        %get3A_240 = arith.index_cast %get3A_239 : i32 to index
        %get3A_241 = arith.index_cast %mul3A_108 : i32 to index
        %get3A_242 = tpu.vector_load %arg6[%get3A_240, %get3A_241] {strides = array<i32>} : memref<64x512xi32, #tpu.memory_space<vmem>>, vector<16xi32>,
        %shift_left3A_243 = arith.constant 16 : i32
        %shift_left3A_244 = vector.broadcast %shift_left3A_243 : i32 to vector<16xi32>
        %shift_left3A_245 = arith.shli %get3A_242, %shift_left3A_244 : vector<16xi32>
        %bitcast3A_246 = vector.bitcast %shift_left3A_245 : vector<16xi32> to vector<16xf32>
        %add3A_247 = arith.addf %add3A_203, %bitcast3A_246 : vector<16xf32>
        %bitcast3A_248 = vector.bitcast %get3A_242 : vector<16xi32> to vector<16xf32>
        %add3A_249 = arith.addf %add3A_205, %bitcast3A_248 : vector<16xf32>
        %get3A_250 = arith.constant 13 : i32
        %get3A_251 = arith.index_cast %get3A_250 : i32 to index
        %get3A_252 = arith.index_cast %mul3A_108 : i32 to index
        %get3A_253 = tpu.vector_load %arg6[%get3A_251, %get3A_252] {strides = array<i32>} : memref<64x512xi32, #tpu.memory_space<vmem>>, vector<16xi32>,
        %shift_left3A_254 = arith.constant 16 : i32
        %shift_left3A_255 = vector.broadcast %shift_left3A_254 : i32 to vector<16xi32>
        %shift_left3A_256 = arith.shli %get3A_253, %shift_left3A_255 : vector<16xi32>
        %bitcast3A_257 = vector.bitcast %shift_left3A_256 : vector<16xi32> to vector<16xf32>
        %add3A_258 = arith.addf %add3A_214, %bitcast3A_257 : vector<16xf32>
        %bitcast3A_259 = vector.bitcast %get3A_253 : vector<16xi32> to vector<16xf32>
        %add3A_260 = arith.addf %add3A_216, %bitcast3A_259 : vector<16xf32>
        %get3A_261 = arith.constant 14 : i32
        %get3A_262 = arith.index_cast %get3A_261 : i32 to index
        %get3A_263 = arith.index_cast %mul3A_108 : i32 to index
        %get3A_264 = tpu.vector_load %arg6[%get3A_262, %get3A_263] {strides = array<i32>} : memref<64x512xi32, #tpu.memory_space<vmem>>, vector<16xi32>,
        %shift_left3A_265 = arith.constant 16 : i32
        %shift_left3A_266 = vector.broadcast %shift_left3A_265 : i32 to vector<16xi32>
        %shift_left3A_267 = arith.shli %get3A_264, %shift_left3A_266 : vector<16xi32>
        %bitcast3A_268 = vector.bitcast %shift_left3A_267 : vector<16xi32> to vector<16xf32>
        %add3A_269 = arith.addf %add3A_225, %bitcast3A_268 : vector<16xf32>
        %bitcast3A_270 = vector.bitcast %get3A_264 : vector<16xi32> to vector<16xf32>
        %add3A_271 = arith.addf %add3A_227, %bitcast3A_270 : vector<16xf32>
        %get3A_272 = arith.constant 15 : i32
        %get3A_273 = arith.index_cast %get3A_272 : i32 to index
        %get3A_274 = arith.index_cast %mul3A_108 : i32 to index
        %get3A_275 = tpu.vector_load %arg6[%get3A_273, %get3A_274] {strides = array<i32>} : memref<64x512xi32, #tpu.memory_space<vmem>>, vector<16xi32>,
        %shift_left3A_276 = arith.constant 16 : i32
        %shift_left3A_277 = vector.broadcast %shift_left3A_276 : i32 to vector<16xi32>
        %shift_left3A_278 = arith.shli %get3A_275, %shift_left3A_277 : vector<16xi32>
        %bitcast3A_279 = vector.bitcast %shift_left3A_278 : vector<16xi32> to vector<16xf32>
        %add3A_280 = arith.addf %add3A_236, %bitcast3A_279 : vector<16xf32>
        %bitcast3A_281 = vector.bitcast %get3A_275 : vector<16xi32> to vector<16xf32>
        %add3A_282 = arith.addf %add3A_238, %bitcast3A_281 : vector<16xf32>
        %get3A_283 = arith.constant 16 : i32
        %get3A_284 = arith.index_cast %get3A_283 : i32 to index
        %get3A_285 = arith.index_cast %mul3A_108 : i32 to index
        %get3A_286 = tpu.vector_load %arg6[%get3A_284, %get3A_285] {strides = array<i32>} : memref<64x512xi32, #tpu.memory_space<vmem>>, vector<16xi32>,
        %shift_left3A_287 = arith.constant 16 : i32
        %shift_left3A_288 = vector.broadcast %shift_left3A_287 : i32 to vector<16xi32>
        %shift_left3A_289 = arith.shli %get3A_286, %shift_left3A_288 : vector<16xi32>
        %bitcast3A_290 = vector.bitcast %shift_left3A_289 : vector<16xi32> to vector<16xf32>
        %add3A_291 = arith.addf %add3A_247, %bitcast3A_290 : vector<16xf32>
        %bitcast3A_292 = vector.bitcast %get3A_286 : vector<16xi32> to vector<16xf32>
        %add3A_293 = arith.addf %add3A_249, %bitcast3A_292 : vector<16xf32>
        %get3A_294 = arith.constant 17 : i32
        %get3A_295 = arith.index_cast %get3A_294 : i32 to index
        %get3A_296 = arith.index_cast %mul3A_108 : i32 to index
        %get3A_297 = tpu.vector_load %arg6[%get3A_295, %get3A_296] {strides = array<i32>} : memref<64x512xi32, #tpu.memory_space<vmem>>, vector<16xi32>,
        %shift_left3A_298 = arith.constant 16 : i32
        %shift_left3A_299 = vector.broadcast %shift_left3A_298 : i32 to vector<16xi32>
        %shift_left3A_300 = arith.shli %get3A_297, %shift_left3A_299 : vector<16xi32>
        %bitcast3A_301 = vector.bitcast %shift_left3A_300 : vector<16xi32> to vector<16xf32>
        %add3A_302 = arith.addf %add3A_258, %bitcast3A_301 : vector<16xf32>
        %bitcast3A_303 = vector.bitcast %get3A_297 : vector<16xi32> to vector<16xf32>
        %add3A_304 = arith.addf %add3A_260, %bitcast3A_303 : vector<16xf32>
        %get3A_305 = arith.constant 18 : i32
        %get3A_306 = arith.index_cast %get3A_305 : i32 to index
        %get3A_307 = arith.index_cast %mul3A_108 : i32 to index
        %get3A_308 = tpu.vector_load %arg6[%get3A_306, %get3A_307] {strides = array<i32>} : memref<64x512xi32, #tpu.memory_space<vmem>>, vector<16xi32>,
        %shift_left3A_309 = arith.constant 16 : i32
        %shift_left3A_310 = vector.broadcast %shift_left3A_309 : i32 to vector<16xi32>
        %shift_left3A_311 = arith.shli %get3A_308, %shift_left3A_310 : vector<16xi32>
        %bitcast3A_312 = vector.bitcast %shift_left3A_311 : vector<16xi32> to vector<16xf32>
        %add3A_313 = arith.addf %add3A_269, %bitcast3A_312 : vector<16xf32>
        %bitcast3A_314 = vector.bitcast %get3A_308 : vector<16xi32> to vector<16xf32>
        %add3A_315 = arith.addf %add3A_271, %bitcast3A_314 : vector<16xf32>
        %get3A_316 = arith.constant 19 : i32
        %get3A_317 = arith.index_cast %get3A_316 : i32 to index
        %get3A_318 = arith.index_cast %mul3A_108 : i32 to index
        %get3A_319 = tpu.vector_load %arg6[%get3A_317, %get3A_318] {strides = array<i32>} : memref<64x512xi32, #tpu.memory_space<vmem>>, vector<16xi32>,
        %shift_left3A_320 = arith.constant 16 : i32
        %shift_left3A_321 = vector.broadcast %shift_left3A_320 : i32 to vector<16xi32>
        %shift_left3A_322 = arith.shli %get3A_319, %shift_left3A_321 : vector<16xi32>
        %bitcast3A_323 = vector.bitcast %shift_left3A_322 : vector<16xi32> to vector<16xf32>
        %add3A_324 = arith.addf %add3A_280, %bitcast3A_323 : vector<16xf32>
        %bitcast3A_325 = vector.bitcast %get3A_319 : vector<16xi32> to vector<16xf32>
        %add3A_326 = arith.addf %add3A_282, %bitcast3A_325 : vector<16xf32>
        %get3A_327 = arith.constant 20 : i32
        %get3A_328 = arith.index_cast %get3A_327 : i32 to index
        %get3A_329 = arith.index_cast %mul3A_108 : i32 to index
        %get3A_330 = tpu.vector_load %arg6[%get3A_328, %get3A_329] {strides = array<i32>} : memref<64x512xi32, #tpu.memory_space<vmem>>, vector<16xi32>,
        %shift_left3A_331 = arith.constant 16 : i32
        %shift_left3A_332 = vector.broadcast %shift_left3A_331 : i32 to vector<16xi32>
        %shift_left3A_333 = arith.shli %get3A_330, %shift_left3A_332 : vector<16xi32>
        %bitcast3A_334 = vector.bitcast %shift_left3A_333 : vector<16xi32> to vector<16xf32>
        %add3A_335 = arith.addf %add3A_291, %bitcast3A_334 : vector<16xf32>
        %bitcast3A_336 = vector.bitcast %get3A_330 : vector<16xi32> to vector<16xf32>
        %add3A_337 = arith.addf %add3A_293, %bitcast3A_336 : vector<16xf32>
        %get3A_338 = arith.constant 21 : i32
        %get3A_339 = arith.index_cast %get3A_338 : i32 to index
        %get3A_340 = arith.index_cast %mul3A_108 : i32 to index
        %get3A_341 = tpu.vector_load %arg6[%get3A_339, %get3A_340] {strides = array<i32>} : memref<64x512xi32, #tpu.memory_space<vmem>>, vector<16xi32>,
        %shift_left3A_342 = arith.constant 16 : i32
        %shift_left3A_343 = vector.broadcast %shift_left3A_342 : i32 to vector<16xi32>
        %shift_left3A_344 = arith.shli %get3A_341, %shift_left3A_343 : vector<16xi32>
        %bitcast3A_345 = vector.bitcast %shift_left3A_344 : vector<16xi32> to vector<16xf32>
        %add3A_346 = arith.addf %add3A_302, %bitcast3A_345 : vector<16xf32>
        %bitcast3A_347 = vector.bitcast %get3A_341 : vector<16xi32> to vector<16xf32>
        %add3A_348 = arith.addf %add3A_304, %bitcast3A_347 : vector<16xf32>
        %get3A_349 = arith.constant 22 : i32
        %get3A_350 = arith.index_cast %get3A_349 : i32 to index
        %get3A_351 = arith.index_cast %mul3A_108 : i32 to index
        %get3A_352 = tpu.vector_load %arg6[%get3A_350, %get3A_351] {strides = array<i32>} : memref<64x512xi32, #tpu.memory_space<vmem>>, vector<16xi32>,
        %shift_left3A_353 = arith.constant 16 : i32
        %shift_left3A_354 = vector.broadcast %shift_left3A_353 : i32 to vector<16xi32>
        %shift_left3A_355 = arith.shli %get3A_352, %shift_left3A_354 : vector<16xi32>
        %bitcast3A_356 = vector.bitcast %shift_left3A_355 : vector<16xi32> to vector<16xf32>
        %add3A_357 = arith.addf %add3A_313, %bitcast3A_356 : vector<16xf32>
        %bitcast3A_358 = vector.bitcast %get3A_352 : vector<16xi32> to vector<16xf32>
        %add3A_359 = arith.addf %add3A_315, %bitcast3A_358 : vector<16xf32>
        %get3A_360 = arith.constant 23 : i32
        %get3A_361 = arith.index_cast %get3A_360 : i32 to index
        %get3A_362 = arith.index_cast %mul3A_108 : i32 to index
        %get3A_363 = tpu.vector_load %arg6[%get3A_361, %get3A_362] {strides = array<i32>} : memref<64x512xi32, #tpu.memory_space<vmem>>, vector<16xi32>,
        %shift_left3A_364 = arith.constant 16 : i32
        %shift_left3A_365 = vector.broadcast %shift_left3A_364 : i32 to vector<16xi32>
        %shift_left3A_366 = arith.shli %get3A_363, %shift_left3A_365 : vector<16xi32>
        %bitcast3A_367 = vector.bitcast %shift_left3A_366 : vector<16xi32> to vector<16xf32>
        %add3A_368 = arith.addf %add3A_324, %bitcast3A_367 : vector<16xf32>
        %bitcast3A_369 = vector.bitcast %get3A_363 : vector<16xi32> to vector<16xf32>
        %add3A_370 = arith.addf %add3A_326, %bitcast3A_369 : vector<16xf32>
        %get3A_371 = arith.constant 24 : i32
        %get3A_372 = arith.index_cast %get3A_371 : i32 to index
        %get3A_373 = arith.index_cast %mul3A_108 : i32 to index
        %get3A_374 = tpu.vector_load %arg6[%get3A_372, %get3A_373] {strides = array<i32>} : memref<64x512xi32, #tpu.memory_space<vmem>>, vector<16xi32>,
        %shift_left3A_375 = arith.constant 16 : i32
        %shift_left3A_376 = vector.broadcast %shift_left3A_375 : i32 to vector<16xi32>
        %shift_left3A_377 = arith.shli %get3A_374, %shift_left3A_376 : vector<16xi32>
        %bitcast3A_378 = vector.bitcast %shift_left3A_377 : vector<16xi32> to vector<16xf32>
        %add3A_379 = arith.addf %add3A_335, %bitcast3A_378 : vector<16xf32>
        %bitcast3A_380 = vector.bitcast %get3A_374 : vector<16xi32> to vector<16xf32>
        %add3A_381 = arith.addf %add3A_337, %bitcast3A_380 : vector<16xf32>
        %get3A_382 = arith.constant 25 : i32
        %get3A_383 = arith.index_cast %get3A_382 : i32 to index
        %get3A_384 = arith.index_cast %mul3A_108 : i32 to index
        %get3A_385 = tpu.vector_load %arg6[%get3A_383, %get3A_384] {strides = array<i32>} : memref<64x512xi32, #tpu.memory_space<vmem>>, vector<16xi32>,
        %shift_left3A_386 = arith.constant 16 : i32
        %shift_left3A_387 = vector.broadcast %shift_left3A_386 : i32 to vector<16xi32>
        %shift_left3A_388 = arith.shli %get3A_385, %shift_left3A_387 : vector<16xi32>
        %bitcast3A_389 = vector.bitcast %shift_left3A_388 : vector<16xi32> to vector<16xf32>
        %add3A_390 = arith.addf %add3A_346, %bitcast3A_389 : vector<16xf32>
        %bitcast3A_391 = vector.bitcast %get3A_385 : vector<16xi32> to vector<16xf32>
        %add3A_392 = arith.addf %add3A_348, %bitcast3A_391 : vector<16xf32>
        %get3A_393 = arith.constant 26 : i32
        %get3A_394 = arith.index_cast %get3A_393 : i32 to index
        %get3A_395 = arith.index_cast %mul3A_108 : i32 to index
        %get3A_396 = tpu.vector_load %arg6[%get3A_394, %get3A_395] {strides = array<i32>} : memref<64x512xi32, #tpu.memory_space<vmem>>, vector<16xi32>,
        %shift_left3A_397 = arith.constant 16 : i32
        %shift_left3A_398 = vector.broadcast %shift_left3A_397 : i32 to vector<16xi32>
        %shift_left3A_399 = arith.shli %get3A_396, %shift_left3A_398 : vector<16xi32>
        %bitcast3A_400 = vector.bitcast %shift_left3A_399 : vector<16xi32> to vector<16xf32>
        %add3A_401 = arith.addf %add3A_357, %bitcast3A_400 : vector<16xf32>
        %bitcast3A_402 = vector.bitcast %get3A_396 : vector<16xi32> to vector<16xf32>
        %add3A_403 = arith.addf %add3A_359, %bitcast3A_402 : vector<16xf32>
        %get3A_404 = arith.constant 27 : i32
        %get3A_405 = arith.index_cast %get3A_404 : i32 to index
        %get3A_406 = arith.index_cast %mul3A_108 : i32 to index
        %get3A_407 = tpu.vector_load %arg6[%get3A_405, %get3A_406] {strides = array<i32>} : memref<64x512xi32, #tpu.memory_space<vmem>>, vector<16xi32>,
        %shift_left3A_408 = arith.constant 16 : i32
        %shift_left3A_409 = vector.broadcast %shift_left3A_408 : i32 to vector<16xi32>
        %shift_left3A_410 = arith.shli %get3A_407, %shift_left3A_409 : vector<16xi32>
        %bitcast3A_411 = vector.bitcast %shift_left3A_410 : vector<16xi32> to vector<16xf32>
        %add3A_412 = arith.addf %add3A_368, %bitcast3A_411 : vector<16xf32>
        %bitcast3A_413 = vector.bitcast %get3A_407 : vector<16xi32> to vector<16xf32>
        %add3A_414 = arith.addf %add3A_370, %bitcast3A_413 : vector<16xf32>
        %get3A_415 = arith.constant 28 : i32
        %get3A_416 = arith.index_cast %get3A_415 : i32 to index
        %get3A_417 = arith.index_cast %mul3A_108 : i32 to index
        %get3A_418 = tpu.vector_load %arg6[%get3A_416, %get3A_417] {strides = array<i32>} : memref<64x512xi32, #tpu.memory_space<vmem>>, vector<16xi32>,
        %shift_left3A_419 = arith.constant 16 : i32
        %shift_left3A_420 = vector.broadcast %shift_left3A_419 : i32 to vector<16xi32>
        %shift_left3A_421 = arith.shli %get3A_418, %shift_left3A_420 : vector<16xi32>
        %bitcast3A_422 = vector.bitcast %shift_left3A_421 : vector<16xi32> to vector<16xf32>
        %add3A_423 = arith.addf %add3A_379, %bitcast3A_422 : vector<16xf32>
        %bitcast3A_424 = vector.bitcast %get3A_418 : vector<16xi32> to vector<16xf32>
        %add3A_425 = arith.addf %add3A_381, %bitcast3A_424 : vector<16xf32>
        %get3A_426 = arith.constant 29 : i32
        %get3A_427 = arith.index_cast %get3A_426 : i32 to index
        %get3A_428 = arith.index_cast %mul3A_108 : i32 to index
        %get3A_429 = tpu.vector_load %arg6[%get3A_427, %get3A_428] {strides = array<i32>} : memref<64x512xi32, #tpu.memory_space<vmem>>, vector<16xi32>,
        %shift_left3A_430 = arith.constant 16 : i32
        %shift_left3A_431 = vector.broadcast %shift_left3A_430 : i32 to vector<16xi32>
        %shift_left3A_432 = arith.shli %get3A_429, %shift_left3A_431 : vector<16xi32>
        %bitcast3A_433 = vector.bitcast %shift_left3A_432 : vector<16xi32> to vector<16xf32>
        %add3A_434 = arith.addf %add3A_390, %bitcast3A_433 : vector<16xf32>
        %bitcast3A_435 = vector.bitcast %get3A_429 : vector<16xi32> to vector<16xf32>
        %add3A_436 = arith.addf %add3A_392, %bitcast3A_435 : vector<16xf32>
        %get3A_437 = arith.constant 30 : i32
        %get3A_438 = arith.index_cast %get3A_437 : i32 to index
        %get3A_439 = arith.index_cast %mul3A_108 : i32 to index
        %get3A_440 = tpu.vector_load %arg6[%get3A_438, %get3A_439] {strides = array<i32>} : memref<64x512xi32, #tpu.memory_space<vmem>>, vector<16xi32>,
        %shift_left3A_441 = arith.constant 16 : i32
        %shift_left3A_442 = vector.broadcast %shift_left3A_441 : i32 to vector<16xi32>
        %shift_left3A_443 = arith.shli %get3A_440, %shift_left3A_442 : vector<16xi32>
        %bitcast3A_444 = vector.bitcast %shift_left3A_443 : vector<16xi32> to vector<16xf32>
        %add3A_445 = arith.addf %add3A_401, %bitcast3A_444 : vector<16xf32>
        %bitcast3A_446 = vector.bitcast %get3A_440 : vector<16xi32> to vector<16xf32>
        %add3A_447 = arith.addf %add3A_403, %bitcast3A_446 : vector<16xf32>
        %get3A_448 = arith.constant 31 : i32
        %get3A_449 = arith.index_cast %get3A_448 : i32 to index
        %get3A_450 = arith.index_cast %mul3A_108 : i32 to index
        %get3A_451 = tpu.vector_load %arg6[%get3A_449, %get3A_450] {strides = array<i32>} : memref<64x512xi32, #tpu.memory_space<vmem>>, vector<16xi32>,
        %shift_left3A_452 = arith.constant 16 : i32
        %shift_left3A_453 = vector.broadcast %shift_left3A_452 : i32 to vector<16xi32>
        %shift_left3A_454 = arith.shli %get3A_451, %shift_left3A_453 : vector<16xi32>
        %bitcast3A_455 = vector.bitcast %shift_left3A_454 : vector<16xi32> to vector<16xf32>
        %add3A_456 = arith.addf %add3A_412, %bitcast3A_455 : vector<16xf32>
        %bitcast3A_457 = vector.bitcast %get3A_451 : vector<16xi32> to vector<16xf32>
        %add3A_458 = arith.addf %add3A_414, %bitcast3A_457 : vector<16xf32>
        %get3A_459 = arith.constant 32 : i32
        %get3A_460 = arith.index_cast %get3A_459 : i32 to index
        %get3A_461 = arith.index_cast %mul3A_108 : i32 to index
        %get3A_462 = tpu.vector_load %arg6[%get3A_460, %get3A_461] {strides = array<i32>} : memref<64x512xi32, #tpu.memory_space<vmem>>, vector<16xi32>,
        %shift_left3A_463 = arith.constant 16 : i32
        %shift_left3A_464 = vector.broadcast %shift_left3A_463 : i32 to vector<16xi32>
        %shift_left3A_465 = arith.shli %get3A_462, %shift_left3A_464 : vector<16xi32>
        %bitcast3A_466 = vector.bitcast %shift_left3A_465 : vector<16xi32> to vector<16xf32>
        %add3A_467 = arith.addf %add3A_423, %bitcast3A_466 : vector<16xf32>
        %bitcast3A_468 = vector.bitcast %get3A_462 : vector<16xi32> to vector<16xf32>
        %add3A_469 = arith.addf %add3A_425, %bitcast3A_468 : vector<16xf32>
        %get3A_470 = arith.constant 33 : i32
        %get3A_471 = arith.index_cast %get3A_470 : i32 to index
        %get3A_472 = arith.index_cast %mul3A_108 : i32 to index
        %get3A_473 = tpu.vector_load %arg6[%get3A_471, %get3A_472] {strides = array<i32>} : memref<64x512xi32, #tpu.memory_space<vmem>>, vector<16xi32>,
        %shift_left3A_474 = arith.constant 16 : i32
        %shift_left3A_475 = vector.broadcast %shift_left3A_474 : i32 to vector<16xi32>
        %shift_left3A_476 = arith.shli %get3A_473, %shift_left3A_475 : vector<16xi32>
        %bitcast3A_477 = vector.bitcast %shift_left3A_476 : vector<16xi32> to vector<16xf32>
        %add3A_478 = arith.addf %add3A_434, %bitcast3A_477 : vector<16xf32>
        %bitcast3A_479 = vector.bitcast %get3A_473 : vector<16xi32> to vector<16xf32>
        %add3A_480 = arith.addf %add3A_436, %bitcast3A_479 : vector<16xf32>
        %get3A_481 = arith.constant 34 : i32
        %get3A_482 = arith.index_cast %get3A_481 : i32 to index
        %get3A_483 = arith.index_cast %mul3A_108 : i32 to index
        %get3A_484 = tpu.vector_load %arg6[%get3A_482, %get3A_483] {strides = array<i32>} : memref<64x512xi32, #tpu.memory_space<vmem>>, vector<16xi32>,
        %shift_left3A_485 = arith.constant 16 : i32
        %shift_left3A_486 = vector.broadcast %shift_left3A_485 : i32 to vector<16xi32>
        %shift_left3A_487 = arith.shli %get3A_484, %shift_left3A_486 : vector<16xi32>
        %bitcast3A_488 = vector.bitcast %shift_left3A_487 : vector<16xi32> to vector<16xf32>
        %add3A_489 = arith.addf %add3A_445, %bitcast3A_488 : vector<16xf32>
        %bitcast3A_490 = vector.bitcast %get3A_484 : vector<16xi32> to vector<16xf32>
        %add3A_491 = arith.addf %add3A_447, %bitcast3A_490 : vector<16xf32>
        %get3A_492 = arith.constant 35 : i32
        %get3A_493 = arith.index_cast %get3A_492 : i32 to index
        %get3A_494 = arith.index_cast %mul3A_108 : i32 to index
        %get3A_495 = tpu.vector_load %arg6[%get3A_493, %get3A_494] {strides = array<i32>} : memref<64x512xi32, #tpu.memory_space<vmem>>, vector<16xi32>,
        %shift_left3A_496 = arith.constant 16 : i32
        %shift_left3A_497 = vector.broadcast %shift_left3A_496 : i32 to vector<16xi32>
        %shift_left3A_498 = arith.shli %get3A_495, %shift_left3A_497 : vector<16xi32>
        %bitcast3A_499 = vector.bitcast %shift_left3A_498 : vector<16xi32> to vector<16xf32>
        %add3A_500 = arith.addf %add3A_456, %bitcast3A_499 : vector<16xf32>
        %bitcast3A_501 = vector.bitcast %get3A_495 : vector<16xi32> to vector<16xf32>
        %add3A_502 = arith.addf %add3A_458, %bitcast3A_501 : vector<16xf32>
        %get3A_503 = arith.constant 36 : i32
        %get3A_504 = arith.index_cast %get3A_503 : i32 to index
        %get3A_505 = arith.index_cast %mul3A_108 : i32 to index
        %get3A_506 = tpu.vector_load %arg6[%get3A_504, %get3A_505] {strides = array<i32>} : memref<64x512xi32, #tpu.memory_space<vmem>>, vector<16xi32>,
        %shift_left3A_507 = arith.constant 16 : i32
        %shift_left3A_508 = vector.broadcast %shift_left3A_507 : i32 to vector<16xi32>
        %shift_left3A_509 = arith.shli %get3A_506, %shift_left3A_508 : vector<16xi32>
        %bitcast3A_510 = vector.bitcast %shift_left3A_509 : vector<16xi32> to vector<16xf32>
        %add3A_511 = arith.addf %add3A_467, %bitcast3A_510 : vector<16xf32>
        %bitcast3A_512 = vector.bitcast %get3A_506 : vector<16xi32> to vector<16xf32>
        %add3A_513 = arith.addf %add3A_469, %bitcast3A_512 : vector<16xf32>
        %get3A_514 = arith.constant 37 : i32
        %get3A_515 = arith.index_cast %get3A_514 : i32 to index
        %get3A_516 = arith.index_cast %mul3A_108 : i32 to index
        %get3A_517 = tpu.vector_load %arg6[%get3A_515, %get3A_516] {strides = array<i32>} : memref<64x512xi32, #tpu.memory_space<vmem>>, vector<16xi32>,
        %shift_left3A_518 = arith.constant 16 : i32
        %shift_left3A_519 = vector.broadcast %shift_left3A_518 : i32 to vector<16xi32>
        %shift_left3A_520 = arith.shli %get3A_517, %shift_left3A_519 : vector<16xi32>
        %bitcast3A_521 = vector.bitcast %shift_left3A_520 : vector<16xi32> to vector<16xf32>
        %add3A_522 = arith.addf %add3A_478, %bitcast3A_521 : vector<16xf32>
        %bitcast3A_523 = vector.bitcast %get3A_517 : vector<16xi32> to vector<16xf32>
        %add3A_524 = arith.addf %add3A_480, %bitcast3A_523 : vector<16xf32>
        %get3A_525 = arith.constant 38 : i32
        %get3A_526 = arith.index_cast %get3A_525 : i32 to index
        %get3A_527 = arith.index_cast %mul3A_108 : i32 to index
        %get3A_528 = tpu.vector_load %arg6[%get3A_526, %get3A_527] {strides = array<i32>} : memref<64x512xi32, #tpu.memory_space<vmem>>, vector<16xi32>,
        %shift_left3A_529 = arith.constant 16 : i32
        %shift_left3A_530 = vector.broadcast %shift_left3A_529 : i32 to vector<16xi32>
        %shift_left3A_531 = arith.shli %get3A_528, %shift_left3A_530 : vector<16xi32>
        %bitcast3A_532 = vector.bitcast %shift_left3A_531 : vector<16xi32> to vector<16xf32>
        %add3A_533 = arith.addf %add3A_489, %bitcast3A_532 : vector<16xf32>
        %bitcast3A_534 = vector.bitcast %get3A_528 : vector<16xi32> to vector<16xf32>
        %add3A_535 = arith.addf %add3A_491, %bitcast3A_534 : vector<16xf32>
        %get3A_536 = arith.constant 39 : i32
        %get3A_537 = arith.index_cast %get3A_536 : i32 to index
        %get3A_538 = arith.index_cast %mul3A_108 : i32 to index
        %get3A_539 = tpu.vector_load %arg6[%get3A_537, %get3A_538] {strides = array<i32>} : memref<64x512xi32, #tpu.memory_space<vmem>>, vector<16xi32>,
        %shift_left3A_540 = arith.constant 16 : i32
        %shift_left3A_541 = vector.broadcast %shift_left3A_540 : i32 to vector<16xi32>
        %shift_left3A_542 = arith.shli %get3A_539, %shift_left3A_541 : vector<16xi32>
        %bitcast3A_543 = vector.bitcast %shift_left3A_542 : vector<16xi32> to vector<16xf32>
        %add3A_544 = arith.addf %add3A_500, %bitcast3A_543 : vector<16xf32>
        %bitcast3A_545 = vector.bitcast %get3A_539 : vector<16xi32> to vector<16xf32>
        %add3A_546 = arith.addf %add3A_502, %bitcast3A_545 : vector<16xf32>
        %get3A_547 = arith.constant 40 : i32
        %get3A_548 = arith.index_cast %get3A_547 : i32 to index
        %get3A_549 = arith.index_cast %mul3A_108 : i32 to index
        %get3A_550 = tpu.vector_load %arg6[%get3A_548, %get3A_549] {strides = array<i32>} : memref<64x512xi32, #tpu.memory_space<vmem>>, vector<16xi32>,
        %shift_left3A_551 = arith.constant 16 : i32
        %shift_left3A_552 = vector.broadcast %shift_left3A_551 : i32 to vector<16xi32>
        %shift_left3A_553 = arith.shli %get3A_550, %shift_left3A_552 : vector<16xi32>
        %bitcast3A_554 = vector.bitcast %shift_left3A_553 : vector<16xi32> to vector<16xf32>
        %add3A_555 = arith.addf %add3A_511, %bitcast3A_554 : vector<16xf32>
        %bitcast3A_556 = vector.bitcast %get3A_550 : vector<16xi32> to vector<16xf32>
        %add3A_557 = arith.addf %add3A_513, %bitcast3A_556 : vector<16xf32>
        %get3A_558 = arith.constant 41 : i32
        %get3A_559 = arith.index_cast %get3A_558 : i32 to index
        %get3A_560 = arith.index_cast %mul3A_108 : i32 to index
        %get3A_561 = tpu.vector_load %arg6[%get3A_559, %get3A_560] {strides = array<i32>} : memref<64x512xi32, #tpu.memory_space<vmem>>, vector<16xi32>,
        %shift_left3A_562 = arith.constant 16 : i32
        %shift_left3A_563 = vector.broadcast %shift_left3A_562 : i32 to vector<16xi32>
        %shift_left3A_564 = arith.shli %get3A_561, %shift_left3A_563 : vector<16xi32>
        %bitcast3A_565 = vector.bitcast %shift_left3A_564 : vector<16xi32> to vector<16xf32>
        %add3A_566 = arith.addf %add3A_522, %bitcast3A_565 : vector<16xf32>
        %bitcast3A_567 = vector.bitcast %get3A_561 : vector<16xi32> to vector<16xf32>
        %add3A_568 = arith.addf %add3A_524, %bitcast3A_567 : vector<16xf32>
        %get3A_569 = arith.constant 42 : i32
        %get3A_570 = arith.index_cast %get3A_569 : i32 to index
        %get3A_571 = arith.index_cast %mul3A_108 : i32 to index
        %get3A_572 = tpu.vector_load %arg6[%get3A_570, %get3A_571] {strides = array<i32>} : memref<64x512xi32, #tpu.memory_space<vmem>>, vector<16xi32>,
        %shift_left3A_573 = arith.constant 16 : i32
        %shift_left3A_574 = vector.broadcast %shift_left3A_573 : i32 to vector<16xi32>
        %shift_left3A_575 = arith.shli %get3A_572, %shift_left3A_574 : vector<16xi32>
        %bitcast3A_576 = vector.bitcast %shift_left3A_575 : vector<16xi32> to vector<16xf32>
        %add3A_577 = arith.addf %add3A_533, %bitcast3A_576 : vector<16xf32>
        %bitcast3A_578 = vector.bitcast %get3A_572 : vector<16xi32> to vector<16xf32>
        %add3A_579 = arith.addf %add3A_535, %bitcast3A_578 : vector<16xf32>
        %get3A_580 = arith.constant 43 : i32
        %get3A_581 = arith.index_cast %get3A_580 : i32 to index
        %get3A_582 = arith.index_cast %mul3A_108 : i32 to index
        %get3A_583 = tpu.vector_load %arg6[%get3A_581, %get3A_582] {strides = array<i32>} : memref<64x512xi32, #tpu.memory_space<vmem>>, vector<16xi32>,
        %shift_left3A_584 = arith.constant 16 : i32
        %shift_left3A_585 = vector.broadcast %shift_left3A_584 : i32 to vector<16xi32>
        %shift_left3A_586 = arith.shli %get3A_583, %shift_left3A_585 : vector<16xi32>
        %bitcast3A_587 = vector.bitcast %shift_left3A_586 : vector<16xi32> to vector<16xf32>
        %add3A_588 = arith.addf %add3A_544, %bitcast3A_587 : vector<16xf32>
        %bitcast3A_589 = vector.bitcast %get3A_583 : vector<16xi32> to vector<16xf32>
        %add3A_590 = arith.addf %add3A_546, %bitcast3A_589 : vector<16xf32>
        %get3A_591 = arith.constant 44 : i32
        %get3A_592 = arith.index_cast %get3A_591 : i32 to index
        %get3A_593 = arith.index_cast %mul3A_108 : i32 to index
        %get3A_594 = tpu.vector_load %arg6[%get3A_592, %get3A_593] {strides = array<i32>} : memref<64x512xi32, #tpu.memory_space<vmem>>, vector<16xi32>,
        %shift_left3A_595 = arith.constant 16 : i32
        %shift_left3A_596 = vector.broadcast %shift_left3A_595 : i32 to vector<16xi32>
        %shift_left3A_597 = arith.shli %get3A_594, %shift_left3A_596 : vector<16xi32>
        %bitcast3A_598 = vector.bitcast %shift_left3A_597 : vector<16xi32> to vector<16xf32>
        %add3A_599 = arith.addf %add3A_555, %bitcast3A_598 : vector<16xf32>
        %bitcast3A_600 = vector.bitcast %get3A_594 : vector<16xi32> to vector<16xf32>
        %add3A_601 = arith.addf %add3A_557, %bitcast3A_600 : vector<16xf32>
        %get3A_602 = arith.constant 45 : i32
        %get3A_603 = arith.index_cast %get3A_602 : i32 to index
        %get3A_604 = arith.index_cast %mul3A_108 : i32 to index
        %get3A_605 = tpu.vector_load %arg6[%get3A_603, %get3A_604] {strides = array<i32>} : memref<64x512xi32, #tpu.memory_space<vmem>>, vector<16xi32>,
        %shift_left3A_606 = arith.constant 16 : i32
        %shift_left3A_607 = vector.broadcast %shift_left3A_606 : i32 to vector<16xi32>
        %shift_left3A_608 = arith.shli %get3A_605, %shift_left3A_607 : vector<16xi32>
        %bitcast3A_609 = vector.bitcast %shift_left3A_608 : vector<16xi32> to vector<16xf32>
        %add3A_610 = arith.addf %add3A_566, %bitcast3A_609 : vector<16xf32>
        %bitcast3A_611 = vector.bitcast %get3A_605 : vector<16xi32> to vector<16xf32>
        %add3A_612 = arith.addf %add3A_568, %bitcast3A_611 : vector<16xf32>
        %get3A_613 = arith.constant 46 : i32
        %get3A_614 = arith.index_cast %get3A_613 : i32 to index
        %get3A_615 = arith.index_cast %mul3A_108 : i32 to index
        %get3A_616 = tpu.vector_load %arg6[%get3A_614, %get3A_615] {strides = array<i32>} : memref<64x512xi32, #tpu.memory_space<vmem>>, vector<16xi32>,
        %shift_left3A_617 = arith.constant 16 : i32
        %shift_left3A_618 = vector.broadcast %shift_left3A_617 : i32 to vector<16xi32>
        %shift_left3A_619 = arith.shli %get3A_616, %shift_left3A_618 : vector<16xi32>
        %bitcast3A_620 = vector.bitcast %shift_left3A_619 : vector<16xi32> to vector<16xf32>
        %add3A_621 = arith.addf %add3A_577, %bitcast3A_620 : vector<16xf32>
        %bitcast3A_622 = vector.bitcast %get3A_616 : vector<16xi32> to vector<16xf32>
        %add3A_623 = arith.addf %add3A_579, %bitcast3A_622 : vector<16xf32>
        %get3A_624 = arith.constant 47 : i32
        %get3A_625 = arith.index_cast %get3A_624 : i32 to index
        %get3A_626 = arith.index_cast %mul3A_108 : i32 to index
        %get3A_627 = tpu.vector_load %arg6[%get3A_625, %get3A_626] {strides = array<i32>} : memref<64x512xi32, #tpu.memory_space<vmem>>, vector<16xi32>,
        %shift_left3A_628 = arith.constant 16 : i32
        %shift_left3A_629 = vector.broadcast %shift_left3A_628 : i32 to vector<16xi32>
        %shift_left3A_630 = arith.shli %get3A_627, %shift_left3A_629 : vector<16xi32>
        %bitcast3A_631 = vector.bitcast %shift_left3A_630 : vector<16xi32> to vector<16xf32>
        %add3A_632 = arith.addf %add3A_588, %bitcast3A_631 : vector<16xf32>
        %bitcast3A_633 = vector.bitcast %get3A_627 : vector<16xi32> to vector<16xf32>
        %add3A_634 = arith.addf %add3A_590, %bitcast3A_633 : vector<16xf32>
        %get3A_635 = arith.constant 48 : i32
        %get3A_636 = arith.index_cast %get3A_635 : i32 to index
        %get3A_637 = arith.index_cast %mul3A_108 : i32 to index
        %get3A_638 = tpu.vector_load %arg6[%get3A_636, %get3A_637] {strides = array<i32>} : memref<64x512xi32, #tpu.memory_space<vmem>>, vector<16xi32>,
        %shift_left3A_639 = arith.constant 16 : i32
        %shift_left3A_640 = vector.broadcast %shift_left3A_639 : i32 to vector<16xi32>
        %shift_left3A_641 = arith.shli %get3A_638, %shift_left3A_640 : vector<16xi32>
        %bitcast3A_642 = vector.bitcast %shift_left3A_641 : vector<16xi32> to vector<16xf32>
        %add3A_643 = arith.addf %add3A_599, %bitcast3A_642 : vector<16xf32>
        %bitcast3A_644 = vector.bitcast %get3A_638 : vector<16xi32> to vector<16xf32>
        %add3A_645 = arith.addf %add3A_601, %bitcast3A_644 : vector<16xf32>
        %get3A_646 = arith.constant 49 : i32
        %get3A_647 = arith.index_cast %get3A_646 : i32 to index
        %get3A_648 = arith.index_cast %mul3A_108 : i32 to index
        %get3A_649 = tpu.vector_load %arg6[%get3A_647, %get3A_648] {strides = array<i32>} : memref<64x512xi32, #tpu.memory_space<vmem>>, vector<16xi32>,
        %shift_left3A_650 = arith.constant 16 : i32
        %shift_left3A_651 = vector.broadcast %shift_left3A_650 : i32 to vector<16xi32>
        %shift_left3A_652 = arith.shli %get3A_649, %shift_left3A_651 : vector<16xi32>
        %bitcast3A_653 = vector.bitcast %shift_left3A_652 : vector<16xi32> to vector<16xf32>
        %add3A_654 = arith.addf %add3A_610, %bitcast3A_653 : vector<16xf32>
        %bitcast3A_655 = vector.bitcast %get3A_649 : vector<16xi32> to vector<16xf32>
        %add3A_656 = arith.addf %add3A_612, %bitcast3A_655 : vector<16xf32>
        %get3A_657 = arith.constant 50 : i32
        %get3A_658 = arith.index_cast %get3A_657 : i32 to index
        %get3A_659 = arith.index_cast %mul3A_108 : i32 to index
        %get3A_660 = tpu.vector_load %arg6[%get3A_658, %get3A_659] {strides = array<i32>} : memref<64x512xi32, #tpu.memory_space<vmem>>, vector<16xi32>,
        %shift_left3A_661 = arith.constant 16 : i32
        %shift_left3A_662 = vector.broadcast %shift_left3A_661 : i32 to vector<16xi32>
        %shift_left3A_663 = arith.shli %get3A_660, %shift_left3A_662 : vector<16xi32>
        %bitcast3A_664 = vector.bitcast %shift_left3A_663 : vector<16xi32> to vector<16xf32>
        %add3A_665 = arith.addf %add3A_621, %bitcast3A_664 : vector<16xf32>
        %bitcast3A_666 = vector.bitcast %get3A_660 : vector<16xi32> to vector<16xf32>
        %add3A_667 = arith.addf %add3A_623, %bitcast3A_666 : vector<16xf32>
        %get3A_668 = arith.constant 51 : i32
        %get3A_669 = arith.index_cast %get3A_668 : i32 to index
        %get3A_670 = arith.index_cast %mul3A_108 : i32 to index
        %get3A_671 = tpu.vector_load %arg6[%get3A_669, %get3A_670] {strides = array<i32>} : memref<64x512xi32, #tpu.memory_space<vmem>>, vector<16xi32>,
        %shift_left3A_672 = arith.constant 16 : i32
        %shift_left3A_673 = vector.broadcast %shift_left3A_672 : i32 to vector<16xi32>
        %shift_left3A_674 = arith.shli %get3A_671, %shift_left3A_673 : vector<16xi32>
        %bitcast3A_675 = vector.bitcast %shift_left3A_674 : vector<16xi32> to vector<16xf32>
        %add3A_676 = arith.addf %add3A_632, %bitcast3A_675 : vector<16xf32>
        %bitcast3A_677 = vector.bitcast %get3A_671 : vector<16xi32> to vector<16xf32>
        %add3A_678 = arith.addf %add3A_634, %bitcast3A_677 : vector<16xf32>
        %get3A_679 = arith.constant 52 : i32
        %get3A_680 = arith.index_cast %get3A_679 : i32 to index
        %get3A_681 = arith.index_cast %mul3A_108 : i32 to index
        %get3A_682 = tpu.vector_load %arg6[%get3A_680, %get3A_681] {strides = array<i32>} : memref<64x512xi32, #tpu.memory_space<vmem>>, vector<16xi32>,
        %shift_left3A_683 = arith.constant 16 : i32
        %shift_left3A_684 = vector.broadcast %shift_left3A_683 : i32 to vector<16xi32>
        %shift_left3A_685 = arith.shli %get3A_682, %shift_left3A_684 : vector<16xi32>
        %bitcast3A_686 = vector.bitcast %shift_left3A_685 : vector<16xi32> to vector<16xf32>
        %add3A_687 = arith.addf %add3A_643, %bitcast3A_686 : vector<16xf32>
        %bitcast3A_688 = vector.bitcast %get3A_682 : vector<16xi32> to vector<16xf32>
        %add3A_689 = arith.addf %add3A_645, %bitcast3A_688 : vector<16xf32>
        %get3A_690 = arith.constant 53 : i32
        %get3A_691 = arith.index_cast %get3A_690 : i32 to index
        %get3A_692 = arith.index_cast %mul3A_108 : i32 to index
        %get3A_693 = tpu.vector_load %arg6[%get3A_691, %get3A_692] {strides = array<i32>} : memref<64x512xi32, #tpu.memory_space<vmem>>, vector<16xi32>,
        %shift_left3A_694 = arith.constant 16 : i32
        %shift_left3A_695 = vector.broadcast %shift_left3A_694 : i32 to vector<16xi32>
        %shift_left3A_696 = arith.shli %get3A_693, %shift_left3A_695 : vector<16xi32>
        %bitcast3A_697 = vector.bitcast %shift_left3A_696 : vector<16xi32> to vector<16xf32>
        %add3A_698 = arith.addf %add3A_654, %bitcast3A_697 : vector<16xf32>
        %bitcast3A_699 = vector.bitcast %get3A_693 : vector<16xi32> to vector<16xf32>
        %add3A_700 = arith.addf %add3A_656, %bitcast3A_699 : vector<16xf32>
        %get3A_701 = arith.constant 54 : i32
        %get3A_702 = arith.index_cast %get3A_701 : i32 to index
        %get3A_703 = arith.index_cast %mul3A_108 : i32 to index
        %get3A_704 = tpu.vector_load %arg6[%get3A_702, %get3A_703] {strides = array<i32>} : memref<64x512xi32, #tpu.memory_space<vmem>>, vector<16xi32>,
        %shift_left3A_705 = arith.constant 16 : i32
        %shift_left3A_706 = vector.broadcast %shift_left3A_705 : i32 to vector<16xi32>
        %shift_left3A_707 = arith.shli %get3A_704, %shift_left3A_706 : vector<16xi32>
        %bitcast3A_708 = vector.bitcast %shift_left3A_707 : vector<16xi32> to vector<16xf32>
        %add3A_709 = arith.addf %add3A_665, %bitcast3A_708 : vector<16xf32>
        %bitcast3A_710 = vector.bitcast %get3A_704 : vector<16xi32> to vector<16xf32>
        %add3A_711 = arith.addf %add3A_667, %bitcast3A_710 : vector<16xf32>
        %get3A_712 = arith.constant 55 : i32
        %get3A_713 = arith.index_cast %get3A_712 : i32 to index
        %get3A_714 = arith.index_cast %mul3A_108 : i32 to index
        %get3A_715 = tpu.vector_load %arg6[%get3A_713, %get3A_714] {strides = array<i32>} : memref<64x512xi32, #tpu.memory_space<vmem>>, vector<16xi32>,
        %shift_left3A_716 = arith.constant 16 : i32
        %shift_left3A_717 = vector.broadcast %shift_left3A_716 : i32 to vector<16xi32>
        %shift_left3A_718 = arith.shli %get3A_715, %shift_left3A_717 : vector<16xi32>
        %bitcast3A_719 = vector.bitcast %shift_left3A_718 : vector<16xi32> to vector<16xf32>
        %add3A_720 = arith.addf %add3A_676, %bitcast3A_719 : vector<16xf32>
        %bitcast3A_721 = vector.bitcast %get3A_715 : vector<16xi32> to vector<16xf32>
        %add3A_722 = arith.addf %add3A_678, %bitcast3A_721 : vector<16xf32>
        %get3A_723 = arith.constant 56 : i32
        %get3A_724 = arith.index_cast %get3A_723 : i32 to index
        %get3A_725 = arith.index_cast %mul3A_108 : i32 to index
        %get3A_726 = tpu.vector_load %arg6[%get3A_724, %get3A_725] {strides = array<i32>} : memref<64x512xi32, #tpu.memory_space<vmem>>, vector<16xi32>,
        %shift_left3A_727 = arith.constant 16 : i32
        %shift_left3A_728 = vector.broadcast %shift_left3A_727 : i32 to vector<16xi32>
        %shift_left3A_729 = arith.shli %get3A_726, %shift_left3A_728 : vector<16xi32>
        %bitcast3A_730 = vector.bitcast %shift_left3A_729 : vector<16xi32> to vector<16xf32>
        %add3A_731 = arith.addf %add3A_687, %bitcast3A_730 : vector<16xf32>
        %bitcast3A_732 = vector.bitcast %get3A_726 : vector<16xi32> to vector<16xf32>
        %add3A_733 = arith.addf %add3A_689, %bitcast3A_732 : vector<16xf32>
        %get3A_734 = arith.constant 57 : i32
        %get3A_735 = arith.index_cast %get3A_734 : i32 to index
        %get3A_736 = arith.index_cast %mul3A_108 : i32 to index
        %get3A_737 = tpu.vector_load %arg6[%get3A_735, %get3A_736] {strides = array<i32>} : memref<64x512xi32, #tpu.memory_space<vmem>>, vector<16xi32>,
        %shift_left3A_738 = arith.constant 16 : i32
        %shift_left3A_739 = vector.broadcast %shift_left3A_738 : i32 to vector<16xi32>
        %shift_left3A_740 = arith.shli %get3A_737, %shift_left3A_739 : vector<16xi32>
        %bitcast3A_741 = vector.bitcast %shift_left3A_740 : vector<16xi32> to vector<16xf32>
        %add3A_742 = arith.addf %add3A_698, %bitcast3A_741 : vector<16xf32>
        %bitcast3A_743 = vector.bitcast %get3A_737 : vector<16xi32> to vector<16xf32>
        %add3A_744 = arith.addf %add3A_700, %bitcast3A_743 : vector<16xf32>
        %get3A_745 = arith.constant 58 : i32
        %get3A_746 = arith.index_cast %get3A_745 : i32 to index
        %get3A_747 = arith.index_cast %mul3A_108 : i32 to index
        %get3A_748 = tpu.vector_load %arg6[%get3A_746, %get3A_747] {strides = array<i32>} : memref<64x512xi32, #tpu.memory_space<vmem>>, vector<16xi32>,
        %shift_left3A_749 = arith.constant 16 : i32
        %shift_left3A_750 = vector.broadcast %shift_left3A_749 : i32 to vector<16xi32>
        %shift_left3A_751 = arith.shli %get3A_748, %shift_left3A_750 : vector<16xi32>
        %bitcast3A_752 = vector.bitcast %shift_left3A_751 : vector<16xi32> to vector<16xf32>
        %add3A_753 = arith.addf %add3A_709, %bitcast3A_752 : vector<16xf32>
        %bitcast3A_754 = vector.bitcast %get3A_748 : vector<16xi32> to vector<16xf32>
        %add3A_755 = arith.addf %add3A_711, %bitcast3A_754 : vector<16xf32>
        %get3A_756 = arith.constant 59 : i32
        %get3A_757 = arith.index_cast %get3A_756 : i32 to index
        %get3A_758 = arith.index_cast %mul3A_108 : i32 to index
        %get3A_759 = tpu.vector_load %arg6[%get3A_757, %get3A_758] {strides = array<i32>} : memref<64x512xi32, #tpu.memory_space<vmem>>, vector<16xi32>,
        %shift_left3A_760 = arith.constant 16 : i32
        %shift_left3A_761 = vector.broadcast %shift_left3A_760 : i32 to vector<16xi32>
        %shift_left3A_762 = arith.shli %get3A_759, %shift_left3A_761 : vector<16xi32>
        %bitcast3A_763 = vector.bitcast %shift_left3A_762 : vector<16xi32> to vector<16xf32>
        %add3A_764 = arith.addf %add3A_720, %bitcast3A_763 : vector<16xf32>
        %bitcast3A_765 = vector.bitcast %get3A_759 : vector<16xi32> to vector<16xf32>
        %add3A_766 = arith.addf %add3A_722, %bitcast3A_765 : vector<16xf32>
        %get3A_767 = arith.constant 60 : i32
        %get3A_768 = arith.index_cast %get3A_767 : i32 to index
        %get3A_769 = arith.index_cast %mul3A_108 : i32 to index
        %get3A_770 = tpu.vector_load %arg6[%get3A_768, %get3A_769] {strides = array<i32>} : memref<64x512xi32, #tpu.memory_space<vmem>>, vector<16xi32>,
        %shift_left3A_771 = arith.constant 16 : i32
        %shift_left3A_772 = vector.broadcast %shift_left3A_771 : i32 to vector<16xi32>
        %shift_left3A_773 = arith.shli %get3A_770, %shift_left3A_772 : vector<16xi32>
        %bitcast3A_774 = vector.bitcast %shift_left3A_773 : vector<16xi32> to vector<16xf32>
        %add3A_775 = arith.addf %add3A_731, %bitcast3A_774 : vector<16xf32>
        %bitcast3A_776 = vector.bitcast %get3A_770 : vector<16xi32> to vector<16xf32>
        %add3A_777 = arith.addf %add3A_733, %bitcast3A_776 : vector<16xf32>
        %get3A_778 = arith.constant 61 : i32
        %get3A_779 = arith.index_cast %get3A_778 : i32 to index
        %get3A_780 = arith.index_cast %mul3A_108 : i32 to index
        %get3A_781 = tpu.vector_load %arg6[%get3A_779, %get3A_780] {strides = array<i32>} : memref<64x512xi32, #tpu.memory_space<vmem>>, vector<16xi32>,
        %shift_left3A_782 = arith.constant 16 : i32
        %shift_left3A_783 = vector.broadcast %shift_left3A_782 : i32 to vector<16xi32>
        %shift_left3A_784 = arith.shli %get3A_781, %shift_left3A_783 : vector<16xi32>
        %bitcast3A_785 = vector.bitcast %shift_left3A_784 : vector<16xi32> to vector<16xf32>
        %add3A_786 = arith.addf %add3A_742, %bitcast3A_785 : vector<16xf32>
        %bitcast3A_787 = vector.bitcast %get3A_781 : vector<16xi32> to vector<16xf32>
        %add3A_788 = arith.addf %add3A_744, %bitcast3A_787 : vector<16xf32>
        %get3A_789 = arith.constant 62 : i32
        %get3A_790 = arith.index_cast %get3A_789 : i32 to index
        %get3A_791 = arith.index_cast %mul3A_108 : i32 to index
        %get3A_792 = tpu.vector_load %arg6[%get3A_790, %get3A_791] {strides = array<i32>} : memref<64x512xi32, #tpu.memory_space<vmem>>, vector<16xi32>,
        %shift_left3A_793 = arith.constant 16 : i32
        %shift_left3A_794 = vector.broadcast %shift_left3A_793 : i32 to vector<16xi32>
        %shift_left3A_795 = arith.shli %get3A_792, %shift_left3A_794 : vector<16xi32>
        %bitcast3A_796 = vector.bitcast %shift_left3A_795 : vector<16xi32> to vector<16xf32>
        %add3A_797 = arith.addf %add3A_753, %bitcast3A_796 : vector<16xf32>
        %bitcast3A_798 = vector.bitcast %get3A_792 : vector<16xi32> to vector<16xf32>
        %add3A_799 = arith.addf %add3A_755, %bitcast3A_798 : vector<16xf32>
        %get3A_800 = arith.constant 63 : i32
        %get3A_801 = arith.index_cast %get3A_800 : i32 to index
        %get3A_802 = arith.index_cast %mul3A_108 : i32 to index
        %get3A_803 = tpu.vector_load %arg6[%get3A_801, %get3A_802] {strides = array<i32>} : memref<64x512xi32, #tpu.memory_space<vmem>>, vector<16xi32>,
        %shift_left3A_804 = arith.constant 16 : i32
        %shift_left3A_805 = vector.broadcast %shift_left3A_804 : i32 to vector<16xi32>
        %shift_left3A_806 = arith.shli %get3A_803, %shift_left3A_805 : vector<16xi32>
        %bitcast3A_807 = vector.bitcast %shift_left3A_806 : vector<16xi32> to vector<16xf32>
        %add3A_808 = arith.addf %add3A_764, %bitcast3A_807 : vector<16xf32>
        %bitcast3A_809 = vector.bitcast %get3A_803 : vector<16xi32> to vector<16xf32>
        %add3A_810 = arith.addf %add3A_766, %bitcast3A_809 : vector<16xf32>
        %add3A_811 = arith.addf %add3A_775, %add3A_786 : vector<16xf32>
        %add3A_812 = arith.addf %add3A_797, %add3A_808 : vector<16xf32>
        %add3A_813 = arith.addf %add3A_811, %add3A_812 : vector<16xf32>
        %add3A_814 = arith.addf %add3A_777, %add3A_788 : vector<16xf32>
        %add3A_815 = arith.addf %add3A_799, %add3A_810 : vector<16xf32>
        %add3A_816 = arith.addf %add3A_814, %add3A_815 : vector<16xf32>
        %swap3A = arith.constant 0 : i32
        %swap3A_817 = arith.index_cast %rem3A_51 : i32 to index
        %swap3A_818 = arith.index_cast %swap3A : i32 to index
        %swap3A_819 = arith.index_cast %mul3A_108 : i32 to index
        %swap3A_820 = tpu.vector_load %arg9[%swap3A_817, %swap3A_818, %swap3A_819] {strides = array<i32>} : memref<2x2x448xf32, #tpu.memory_space<vmem>>, vector<16xf32>,
        tpu.vector_store %arg9[%swap3A_817, %swap3A_818, %swap3A_819], %add3A_813 {strides = array<i32>} : memref<2x2x448xf32, #tpu.memory_space<vmem>>, vector<16xf32>,
        %swap3A_821 = arith.constant 1 : i32
        %swap3A_822 = arith.index_cast %rem3A_51 : i32 to index
        %swap3A_823 = arith.index_cast %swap3A_821 : i32 to index
        %swap3A_824 = arith.index_cast %mul3A_108 : i32 to index
        %swap3A_825 = tpu.vector_load %arg9[%swap3A_822, %swap3A_823, %swap3A_824] {strides = array<i32>} : memref<2x2x448xf32, #tpu.memory_space<vmem>>, vector<16xf32>,
        tpu.vector_store %arg9[%swap3A_822, %swap3A_823, %swap3A_824], %add3A_816 {strides = array<i32>} : memref<2x2x448xf32, #tpu.memory_space<vmem>>, vector<16xf32>,
        %scan3A_826 = arith.constant 0 : i32
        scf.yield %scan3A_826 : i32
      }
      %scan3A_67 = arith.constant 28 : i32
      %lt3A = arith.constant 127 : i32
      %lt3A_68 = arith.cmpi slt, %scan3A_49, %lt3A : i32
      %convert_element_type3A_69 = arith.extui %lt3A_68 : i1 to i32
      %cond3A_70 = arith.constant 0 : i32
      %cond3A_71 = arith.cmpi ne, %convert_element_type3A_69, %cond3A_70 : i32
      scf.if %cond3A_71 {
        %add3A_105 = arith.constant 1 : i32
        %add3A_106 = arith.addi %scan3A_49, %add3A_105 : i32
        %dma_start3A_107 = arith.constant 0 : i32
        %dma_start3A_108 = tpu.memref_slice %arg5[%add3A_106, %dma_start3A_107] : memref<128x128xi32, #tpu.memory_space<vmem>> -> memref<1x64xi32, #tpu.memory_space<vmem>>
        %dma_start3A_109 = tpu.memref_squeeze %dma_start3A_108 : memref<1x64xi32, #tpu.memory_space<vmem>> -> memref<64xi32, #tpu.memory_space<vmem>>
        %dma_start3A_110 = arith.constant 0 : i32
        %dma_start3A_111 = arith.constant 0 : i32
        %dma_start3A_112 = tpu.memref_slice %arg3[%dma_start3A_110, %dma_start3A_111] : memref<32128x512xi32, #tpu.memory_space<hbm>> -> memref<32128x512xi32, #tpu.memory_space<hbm>>
        tpu.enqueue_indirect_dma source(%dma_start3A_112 : memref<32128x512xi32, #tpu.memory_space<hbm>>) target(%arg6 : memref<64x512xi32, #tpu.memory_space<vmem>>) offsets(%dma_start3A_109 : memref<64xi32, #tpu.memory_space<vmem>>) semaphore(%arg10 : memref<!tpu.dma_semaphore, #tpu.memory_space<semaphore_mem>>)
      } else {
      }
      %dma_wait3A_72 = arith.constant 0 : i32
      %dma_wait3A_73 = arith.constant 0 : i32
      %dma_wait3A_74 = tpu.memref_slice %arg5[%dma_wait3A_72, %dma_wait3A_73] : memref<128x128xi32, #tpu.memory_space<vmem>> -> memref<1x64xi32, #tpu.memory_space<vmem>>
      %dma_wait3A_75 = tpu.memref_squeeze %dma_wait3A_74 : memref<1x64xi32, #tpu.memory_space<vmem>> -> memref<64xi32, #tpu.memory_space<vmem>>
      %dma_wait3A_76 = arith.constant 0 : i32
      %dma_wait3A_77 = arith.constant 0 : i32
      %dma_wait3A_78 = tpu.memref_slice %arg3[%dma_wait3A_76, %dma_wait3A_77] : memref<32128x512xi32, #tpu.memory_space<hbm>> -> memref<32128x512xi32, #tpu.memory_space<hbm>>
      tpu.wait_indirect_dma semaphore(%arg11 : memref<!tpu.dma_semaphore, #tpu.memory_space<semaphore_mem>>) src(%dma_wait3A_78 : memref<32128x512xi32, #tpu.memory_space<hbm>>) dst(%arg7 : memref<64x512xi32, #tpu.memory_space<vmem>>)
      %scan3A_79 = arith.constant 0 : i32
      %scan3A_80 = arith.constant 0 : i32
      %scan3A_81 = arith.constant 28 : i32
      %scan3A_82 = arith.addi %scan3A_80, %scan3A_81 : i32
      %scan3A_83 = arith.constant 1 : i32
      %scan3A_84 = scf.for %scan3A_105 = %scan3A_80 to %scan3A_82 step %scan3A_83 iter_args(%scan3A_106 = %scan3A_79) -> (i32)  : i32 {
        %mul3A_107 = arith.constant 16 : i32
        %mul3A_108 = arith.muli %scan3A_105, %mul3A_107 : i32
        %broadcast_in_dim3A = arith.constant 0.000000e+00 : f32
        %broadcast_in_dim3A_109 = vector.broadcast %broadcast_in_dim3A : f32 to vector<16xf32>
        %get3A = arith.constant 0 : i32
        %get3A_110 = arith.index_cast %get3A : i32 to index
        %get3A_111 = arith.index_cast %mul3A_108 : i32 to index
        %get3A_112 = tpu.vector_load %arg7[%get3A_110, %get3A_111] {strides = array<i32>} : memref<64x512xi32, #tpu.memory_space<vmem>>, vector<16xi32>,
        %shift_left3A = arith.constant 16 : i32
        %shift_left3A_113 = vector.broadcast %shift_left3A : i32 to vector<16xi32>
        %shift_left3A_114 = arith.shli %get3A_112, %shift_left3A_113 : vector<16xi32>
        %bitcast3A = vector.bitcast %shift_left3A_114 : vector<16xi32> to vector<16xf32>
        %add3A_115 = arith.addf %broadcast_in_dim3A_109, %bitcast3A : vector<16xf32>
        %bitcast3A_116 = vector.bitcast %get3A_112 : vector<16xi32> to vector<16xf32>
        %add3A_117 = arith.addf %broadcast_in_dim3A_109, %bitcast3A_116 : vector<16xf32>
        %get3A_118 = arith.constant 1 : i32
        %get3A_119 = arith.index_cast %get3A_118 : i32 to index
        %get3A_120 = arith.index_cast %mul3A_108 : i32 to index
        %get3A_121 = tpu.vector_load %arg7[%get3A_119, %get3A_120] {strides = array<i32>} : memref<64x512xi32, #tpu.memory_space<vmem>>, vector<16xi32>,
        %shift_left3A_122 = arith.constant 16 : i32
        %shift_left3A_123 = vector.broadcast %shift_left3A_122 : i32 to vector<16xi32>
        %shift_left3A_124 = arith.shli %get3A_121, %shift_left3A_123 : vector<16xi32>
        %bitcast3A_125 = vector.bitcast %shift_left3A_124 : vector<16xi32> to vector<16xf32>
        %add3A_126 = arith.addf %broadcast_in_dim3A_109, %bitcast3A_125 : vector<16xf32>
        %bitcast3A_127 = vector.bitcast %get3A_121 : vector<16xi32> to vector<16xf32>
        %add3A_128 = arith.addf %broadcast_in_dim3A_109, %bitcast3A_127 : vector<16xf32>
        %get3A_129 = arith.constant 2 : i32
        %get3A_130 = arith.index_cast %get3A_129 : i32 to index
        %get3A_131 = arith.index_cast %mul3A_108 : i32 to index
        %get3A_132 = tpu.vector_load %arg7[%get3A_130, %get3A_131] {strides = array<i32>} : memref<64x512xi32, #tpu.memory_space<vmem>>, vector<16xi32>,
        %shift_left3A_133 = arith.constant 16 : i32
        %shift_left3A_134 = vector.broadcast %shift_left3A_133 : i32 to vector<16xi32>
        %shift_left3A_135 = arith.shli %get3A_132, %shift_left3A_134 : vector<16xi32>
        %bitcast3A_136 = vector.bitcast %shift_left3A_135 : vector<16xi32> to vector<16xf32>
        %add3A_137 = arith.addf %broadcast_in_dim3A_109, %bitcast3A_136 : vector<16xf32>
        %bitcast3A_138 = vector.bitcast %get3A_132 : vector<16xi32> to vector<16xf32>
        %add3A_139 = arith.addf %broadcast_in_dim3A_109, %bitcast3A_138 : vector<16xf32>
        %get3A_140 = arith.constant 3 : i32
        %get3A_141 = arith.index_cast %get3A_140 : i32 to index
        %get3A_142 = arith.index_cast %mul3A_108 : i32 to index
        %get3A_143 = tpu.vector_load %arg7[%get3A_141, %get3A_142] {strides = array<i32>} : memref<64x512xi32, #tpu.memory_space<vmem>>, vector<16xi32>,
        %shift_left3A_144 = arith.constant 16 : i32
        %shift_left3A_145 = vector.broadcast %shift_left3A_144 : i32 to vector<16xi32>
        %shift_left3A_146 = arith.shli %get3A_143, %shift_left3A_145 : vector<16xi32>
        %bitcast3A_147 = vector.bitcast %shift_left3A_146 : vector<16xi32> to vector<16xf32>
        %add3A_148 = arith.addf %broadcast_in_dim3A_109, %bitcast3A_147 : vector<16xf32>
        %bitcast3A_149 = vector.bitcast %get3A_143 : vector<16xi32> to vector<16xf32>
        %add3A_150 = arith.addf %broadcast_in_dim3A_109, %bitcast3A_149 : vector<16xf32>
        %get3A_151 = arith.constant 4 : i32
        %get3A_152 = arith.index_cast %get3A_151 : i32 to index
        %get3A_153 = arith.index_cast %mul3A_108 : i32 to index
        %get3A_154 = tpu.vector_load %arg7[%get3A_152, %get3A_153] {strides = array<i32>} : memref<64x512xi32, #tpu.memory_space<vmem>>, vector<16xi32>,
        %shift_left3A_155 = arith.constant 16 : i32
        %shift_left3A_156 = vector.broadcast %shift_left3A_155 : i32 to vector<16xi32>
        %shift_left3A_157 = arith.shli %get3A_154, %shift_left3A_156 : vector<16xi32>
        %bitcast3A_158 = vector.bitcast %shift_left3A_157 : vector<16xi32> to vector<16xf32>
        %add3A_159 = arith.addf %add3A_115, %bitcast3A_158 : vector<16xf32>
        %bitcast3A_160 = vector.bitcast %get3A_154 : vector<16xi32> to vector<16xf32>
        %add3A_161 = arith.addf %add3A_117, %bitcast3A_160 : vector<16xf32>
        %get3A_162 = arith.constant 5 : i32
        %get3A_163 = arith.index_cast %get3A_162 : i32 to index
        %get3A_164 = arith.index_cast %mul3A_108 : i32 to index
        %get3A_165 = tpu.vector_load %arg7[%get3A_163, %get3A_164] {strides = array<i32>} : memref<64x512xi32, #tpu.memory_space<vmem>>, vector<16xi32>,
        %shift_left3A_166 = arith.constant 16 : i32
        %shift_left3A_167 = vector.broadcast %shift_left3A_166 : i32 to vector<16xi32>
        %shift_left3A_168 = arith.shli %get3A_165, %shift_left3A_167 : vector<16xi32>
        %bitcast3A_169 = vector.bitcast %shift_left3A_168 : vector<16xi32> to vector<16xf32>
        %add3A_170 = arith.addf %add3A_126, %bitcast3A_169 : vector<16xf32>
        %bitcast3A_171 = vector.bitcast %get3A_165 : vector<16xi32> to vector<16xf32>
        %add3A_172 = arith.addf %add3A_128, %bitcast3A_171 : vector<16xf32>
        %get3A_173 = arith.constant 6 : i32
        %get3A_174 = arith.index_cast %get3A_173 : i32 to index
        %get3A_175 = arith.index_cast %mul3A_108 : i32 to index
        %get3A_176 = tpu.vector_load %arg7[%get3A_174, %get3A_175] {strides = array<i32>} : memref<64x512xi32, #tpu.memory_space<vmem>>, vector<16xi32>,
        %shift_left3A_177 = arith.constant 16 : i32
        %shift_left3A_178 = vector.broadcast %shift_left3A_177 : i32 to vector<16xi32>
        %shift_left3A_179 = arith.shli %get3A_176, %shift_left3A_178 : vector<16xi32>
        %bitcast3A_180 = vector.bitcast %shift_left3A_179 : vector<16xi32> to vector<16xf32>
        %add3A_181 = arith.addf %add3A_137, %bitcast3A_180 : vector<16xf32>
        %bitcast3A_182 = vector.bitcast %get3A_176 : vector<16xi32> to vector<16xf32>
        %add3A_183 = arith.addf %add3A_139, %bitcast3A_182 : vector<16xf32>
        %get3A_184 = arith.constant 7 : i32
        %get3A_185 = arith.index_cast %get3A_184 : i32 to index
        %get3A_186 = arith.index_cast %mul3A_108 : i32 to index
        %get3A_187 = tpu.vector_load %arg7[%get3A_185, %get3A_186] {strides = array<i32>} : memref<64x512xi32, #tpu.memory_space<vmem>>, vector<16xi32>,
        %shift_left3A_188 = arith.constant 16 : i32
        %shift_left3A_189 = vector.broadcast %shift_left3A_188 : i32 to vector<16xi32>
        %shift_left3A_190 = arith.shli %get3A_187, %shift_left3A_189 : vector<16xi32>
        %bitcast3A_191 = vector.bitcast %shift_left3A_190 : vector<16xi32> to vector<16xf32>
        %add3A_192 = arith.addf %add3A_148, %bitcast3A_191 : vector<16xf32>
        %bitcast3A_193 = vector.bitcast %get3A_187 : vector<16xi32> to vector<16xf32>
        %add3A_194 = arith.addf %add3A_150, %bitcast3A_193 : vector<16xf32>
        %get3A_195 = arith.constant 8 : i32
        %get3A_196 = arith.index_cast %get3A_195 : i32 to index
        %get3A_197 = arith.index_cast %mul3A_108 : i32 to index
        %get3A_198 = tpu.vector_load %arg7[%get3A_196, %get3A_197] {strides = array<i32>} : memref<64x512xi32, #tpu.memory_space<vmem>>, vector<16xi32>,
        %shift_left3A_199 = arith.constant 16 : i32
        %shift_left3A_200 = vector.broadcast %shift_left3A_199 : i32 to vector<16xi32>
        %shift_left3A_201 = arith.shli %get3A_198, %shift_left3A_200 : vector<16xi32>
        %bitcast3A_202 = vector.bitcast %shift_left3A_201 : vector<16xi32> to vector<16xf32>
        %add3A_203 = arith.addf %add3A_159, %bitcast3A_202 : vector<16xf32>
        %bitcast3A_204 = vector.bitcast %get3A_198 : vector<16xi32> to vector<16xf32>
        %add3A_205 = arith.addf %add3A_161, %bitcast3A_204 : vector<16xf32>
        %get3A_206 = arith.constant 9 : i32
        %get3A_207 = arith.index_cast %get3A_206 : i32 to index
        %get3A_208 = arith.index_cast %mul3A_108 : i32 to index
        %get3A_209 = tpu.vector_load %arg7[%get3A_207, %get3A_208] {strides = array<i32>} : memref<64x512xi32, #tpu.memory_space<vmem>>, vector<16xi32>,
        %shift_left3A_210 = arith.constant 16 : i32
        %shift_left3A_211 = vector.broadcast %shift_left3A_210 : i32 to vector<16xi32>
        %shift_left3A_212 = arith.shli %get3A_209, %shift_left3A_211 : vector<16xi32>
        %bitcast3A_213 = vector.bitcast %shift_left3A_212 : vector<16xi32> to vector<16xf32>
        %add3A_214 = arith.addf %add3A_170, %bitcast3A_213 : vector<16xf32>
        %bitcast3A_215 = vector.bitcast %get3A_209 : vector<16xi32> to vector<16xf32>
        %add3A_216 = arith.addf %add3A_172, %bitcast3A_215 : vector<16xf32>
        %get3A_217 = arith.constant 10 : i32
        %get3A_218 = arith.index_cast %get3A_217 : i32 to index
        %get3A_219 = arith.index_cast %mul3A_108 : i32 to index
        %get3A_220 = tpu.vector_load %arg7[%get3A_218, %get3A_219] {strides = array<i32>} : memref<64x512xi32, #tpu.memory_space<vmem>>, vector<16xi32>,
        %shift_left3A_221 = arith.constant 16 : i32
        %shift_left3A_222 = vector.broadcast %shift_left3A_221 : i32 to vector<16xi32>
        %shift_left3A_223 = arith.shli %get3A_220, %shift_left3A_222 : vector<16xi32>
        %bitcast3A_224 = vector.bitcast %shift_left3A_223 : vector<16xi32> to vector<16xf32>
        %add3A_225 = arith.addf %add3A_181, %bitcast3A_224 : vector<16xf32>
        %bitcast3A_226 = vector.bitcast %get3A_220 : vector<16xi32> to vector<16xf32>
        %add3A_227 = arith.addf %add3A_183, %bitcast3A_226 : vector<16xf32>
        %get3A_228 = arith.constant 11 : i32
        %get3A_229 = arith.index_cast %get3A_228 : i32 to index
        %get3A_230 = arith.index_cast %mul3A_108 : i32 to index
        %get3A_231 = tpu.vector_load %arg7[%get3A_229, %get3A_230] {strides = array<i32>} : memref<64x512xi32, #tpu.memory_space<vmem>>, vector<16xi32>,
        %shift_left3A_232 = arith.constant 16 : i32
        %shift_left3A_233 = vector.broadcast %shift_left3A_232 : i32 to vector<16xi32>
        %shift_left3A_234 = arith.shli %get3A_231, %shift_left3A_233 : vector<16xi32>
        %bitcast3A_235 = vector.bitcast %shift_left3A_234 : vector<16xi32> to vector<16xf32>
        %add3A_236 = arith.addf %add3A_192, %bitcast3A_235 : vector<16xf32>
        %bitcast3A_237 = vector.bitcast %get3A_231 : vector<16xi32> to vector<16xf32>
        %add3A_238 = arith.addf %add3A_194, %bitcast3A_237 : vector<16xf32>
        %get3A_239 = arith.constant 12 : i32
        %get3A_240 = arith.index_cast %get3A_239 : i32 to index
        %get3A_241 = arith.index_cast %mul3A_108 : i32 to index
        %get3A_242 = tpu.vector_load %arg7[%get3A_240, %get3A_241] {strides = array<i32>} : memref<64x512xi32, #tpu.memory_space<vmem>>, vector<16xi32>,
        %shift_left3A_243 = arith.constant 16 : i32
        %shift_left3A_244 = vector.broadcast %shift_left3A_243 : i32 to vector<16xi32>
        %shift_left3A_245 = arith.shli %get3A_242, %shift_left3A_244 : vector<16xi32>
        %bitcast3A_246 = vector.bitcast %shift_left3A_245 : vector<16xi32> to vector<16xf32>
        %add3A_247 = arith.addf %add3A_203, %bitcast3A_246 : vector<16xf32>
        %bitcast3A_248 = vector.bitcast %get3A_242 : vector<16xi32> to vector<16xf32>
        %add3A_249 = arith.addf %add3A_205, %bitcast3A_248 : vector<16xf32>
        %get3A_250 = arith.constant 13 : i32
        %get3A_251 = arith.index_cast %get3A_250 : i32 to index
        %get3A_252 = arith.index_cast %mul3A_108 : i32 to index
        %get3A_253 = tpu.vector_load %arg7[%get3A_251, %get3A_252] {strides = array<i32>} : memref<64x512xi32, #tpu.memory_space<vmem>>, vector<16xi32>,
        %shift_left3A_254 = arith.constant 16 : i32
        %shift_left3A_255 = vector.broadcast %shift_left3A_254 : i32 to vector<16xi32>
        %shift_left3A_256 = arith.shli %get3A_253, %shift_left3A_255 : vector<16xi32>
        %bitcast3A_257 = vector.bitcast %shift_left3A_256 : vector<16xi32> to vector<16xf32>
        %add3A_258 = arith.addf %add3A_214, %bitcast3A_257 : vector<16xf32>
        %bitcast3A_259 = vector.bitcast %get3A_253 : vector<16xi32> to vector<16xf32>
        %add3A_260 = arith.addf %add3A_216, %bitcast3A_259 : vector<16xf32>
        %get3A_261 = arith.constant 14 : i32
        %get3A_262 = arith.index_cast %get3A_261 : i32 to index
        %get3A_263 = arith.index_cast %mul3A_108 : i32 to index
        %get3A_264 = tpu.vector_load %arg7[%get3A_262, %get3A_263] {strides = array<i32>} : memref<64x512xi32, #tpu.memory_space<vmem>>, vector<16xi32>,
        %shift_left3A_265 = arith.constant 16 : i32
        %shift_left3A_266 = vector.broadcast %shift_left3A_265 : i32 to vector<16xi32>
        %shift_left3A_267 = arith.shli %get3A_264, %shift_left3A_266 : vector<16xi32>
        %bitcast3A_268 = vector.bitcast %shift_left3A_267 : vector<16xi32> to vector<16xf32>
        %add3A_269 = arith.addf %add3A_225, %bitcast3A_268 : vector<16xf32>
        %bitcast3A_270 = vector.bitcast %get3A_264 : vector<16xi32> to vector<16xf32>
        %add3A_271 = arith.addf %add3A_227, %bitcast3A_270 : vector<16xf32>
        %get3A_272 = arith.constant 15 : i32
        %get3A_273 = arith.index_cast %get3A_272 : i32 to index
        %get3A_274 = arith.index_cast %mul3A_108 : i32 to index
        %get3A_275 = tpu.vector_load %arg7[%get3A_273, %get3A_274] {strides = array<i32>} : memref<64x512xi32, #tpu.memory_space<vmem>>, vector<16xi32>,
        %shift_left3A_276 = arith.constant 16 : i32
        %shift_left3A_277 = vector.broadcast %shift_left3A_276 : i32 to vector<16xi32>
        %shift_left3A_278 = arith.shli %get3A_275, %shift_left3A_277 : vector<16xi32>
        %bitcast3A_279 = vector.bitcast %shift_left3A_278 : vector<16xi32> to vector<16xf32>
        %add3A_280 = arith.addf %add3A_236, %bitcast3A_279 : vector<16xf32>
        %bitcast3A_281 = vector.bitcast %get3A_275 : vector<16xi32> to vector<16xf32>
        %add3A_282 = arith.addf %add3A_238, %bitcast3A_281 : vector<16xf32>
        %get3A_283 = arith.constant 16 : i32
        %get3A_284 = arith.index_cast %get3A_283 : i32 to index
        %get3A_285 = arith.index_cast %mul3A_108 : i32 to index
        %get3A_286 = tpu.vector_load %arg7[%get3A_284, %get3A_285] {strides = array<i32>} : memref<64x512xi32, #tpu.memory_space<vmem>>, vector<16xi32>,
        %shift_left3A_287 = arith.constant 16 : i32
        %shift_left3A_288 = vector.broadcast %shift_left3A_287 : i32 to vector<16xi32>
        %shift_left3A_289 = arith.shli %get3A_286, %shift_left3A_288 : vector<16xi32>
        %bitcast3A_290 = vector.bitcast %shift_left3A_289 : vector<16xi32> to vector<16xf32>
        %add3A_291 = arith.addf %add3A_247, %bitcast3A_290 : vector<16xf32>
        %bitcast3A_292 = vector.bitcast %get3A_286 : vector<16xi32> to vector<16xf32>
        %add3A_293 = arith.addf %add3A_249, %bitcast3A_292 : vector<16xf32>
        %get3A_294 = arith.constant 17 : i32
        %get3A_295 = arith.index_cast %get3A_294 : i32 to index
        %get3A_296 = arith.index_cast %mul3A_108 : i32 to index
        %get3A_297 = tpu.vector_load %arg7[%get3A_295, %get3A_296] {strides = array<i32>} : memref<64x512xi32, #tpu.memory_space<vmem>>, vector<16xi32>,
        %shift_left3A_298 = arith.constant 16 : i32
        %shift_left3A_299 = vector.broadcast %shift_left3A_298 : i32 to vector<16xi32>
        %shift_left3A_300 = arith.shli %get3A_297, %shift_left3A_299 : vector<16xi32>
        %bitcast3A_301 = vector.bitcast %shift_left3A_300 : vector<16xi32> to vector<16xf32>
        %add3A_302 = arith.addf %add3A_258, %bitcast3A_301 : vector<16xf32>
        %bitcast3A_303 = vector.bitcast %get3A_297 : vector<16xi32> to vector<16xf32>
        %add3A_304 = arith.addf %add3A_260, %bitcast3A_303 : vector<16xf32>
        %get3A_305 = arith.constant 18 : i32
        %get3A_306 = arith.index_cast %get3A_305 : i32 to index
        %get3A_307 = arith.index_cast %mul3A_108 : i32 to index
        %get3A_308 = tpu.vector_load %arg7[%get3A_306, %get3A_307] {strides = array<i32>} : memref<64x512xi32, #tpu.memory_space<vmem>>, vector<16xi32>,
        %shift_left3A_309 = arith.constant 16 : i32
        %shift_left3A_310 = vector.broadcast %shift_left3A_309 : i32 to vector<16xi32>
        %shift_left3A_311 = arith.shli %get3A_308, %shift_left3A_310 : vector<16xi32>
        %bitcast3A_312 = vector.bitcast %shift_left3A_311 : vector<16xi32> to vector<16xf32>
        %add3A_313 = arith.addf %add3A_269, %bitcast3A_312 : vector<16xf32>
        %bitcast3A_314 = vector.bitcast %get3A_308 : vector<16xi32> to vector<16xf32>
        %add3A_315 = arith.addf %add3A_271, %bitcast3A_314 : vector<16xf32>
        %get3A_316 = arith.constant 19 : i32
        %get3A_317 = arith.index_cast %get3A_316 : i32 to index
        %get3A_318 = arith.index_cast %mul3A_108 : i32 to index
        %get3A_319 = tpu.vector_load %arg7[%get3A_317, %get3A_318] {strides = array<i32>} : memref<64x512xi32, #tpu.memory_space<vmem>>, vector<16xi32>,
        %shift_left3A_320 = arith.constant 16 : i32
        %shift_left3A_321 = vector.broadcast %shift_left3A_320 : i32 to vector<16xi32>
        %shift_left3A_322 = arith.shli %get3A_319, %shift_left3A_321 : vector<16xi32>
        %bitcast3A_323 = vector.bitcast %shift_left3A_322 : vector<16xi32> to vector<16xf32>
        %add3A_324 = arith.addf %add3A_280, %bitcast3A_323 : vector<16xf32>
        %bitcast3A_325 = vector.bitcast %get3A_319 : vector<16xi32> to vector<16xf32>
        %add3A_326 = arith.addf %add3A_282, %bitcast3A_325 : vector<16xf32>
        %get3A_327 = arith.constant 20 : i32
        %get3A_328 = arith.index_cast %get3A_327 : i32 to index
        %get3A_329 = arith.index_cast %mul3A_108 : i32 to index
        %get3A_330 = tpu.vector_load %arg7[%get3A_328, %get3A_329] {strides = array<i32>} : memref<64x512xi32, #tpu.memory_space<vmem>>, vector<16xi32>,
        %shift_left3A_331 = arith.constant 16 : i32
        %shift_left3A_332 = vector.broadcast %shift_left3A_331 : i32 to vector<16xi32>
        %shift_left3A_333 = arith.shli %get3A_330, %shift_left3A_332 : vector<16xi32>
        %bitcast3A_334 = vector.bitcast %shift_left3A_333 : vector<16xi32> to vector<16xf32>
        %add3A_335 = arith.addf %add3A_291, %bitcast3A_334 : vector<16xf32>
        %bitcast3A_336 = vector.bitcast %get3A_330 : vector<16xi32> to vector<16xf32>
        %add3A_337 = arith.addf %add3A_293, %bitcast3A_336 : vector<16xf32>
        %get3A_338 = arith.constant 21 : i32
        %get3A_339 = arith.index_cast %get3A_338 : i32 to index
        %get3A_340 = arith.index_cast %mul3A_108 : i32 to index
        %get3A_341 = tpu.vector_load %arg7[%get3A_339, %get3A_340] {strides = array<i32>} : memref<64x512xi32, #tpu.memory_space<vmem>>, vector<16xi32>,
        %shift_left3A_342 = arith.constant 16 : i32
        %shift_left3A_343 = vector.broadcast %shift_left3A_342 : i32 to vector<16xi32>
        %shift_left3A_344 = arith.shli %get3A_341, %shift_left3A_343 : vector<16xi32>
        %bitcast3A_345 = vector.bitcast %shift_left3A_344 : vector<16xi32> to vector<16xf32>
        %add3A_346 = arith.addf %add3A_302, %bitcast3A_345 : vector<16xf32>
        %bitcast3A_347 = vector.bitcast %get3A_341 : vector<16xi32> to vector<16xf32>
        %add3A_348 = arith.addf %add3A_304, %bitcast3A_347 : vector<16xf32>
        %get3A_349 = arith.constant 22 : i32
        %get3A_350 = arith.index_cast %get3A_349 : i32 to index
        %get3A_351 = arith.index_cast %mul3A_108 : i32 to index
        %get3A_352 = tpu.vector_load %arg7[%get3A_350, %get3A_351] {strides = array<i32>} : memref<64x512xi32, #tpu.memory_space<vmem>>, vector<16xi32>,
        %shift_left3A_353 = arith.constant 16 : i32
        %shift_left3A_354 = vector.broadcast %shift_left3A_353 : i32 to vector<16xi32>
        %shift_left3A_355 = arith.shli %get3A_352, %shift_left3A_354 : vector<16xi32>
        %bitcast3A_356 = vector.bitcast %shift_left3A_355 : vector<16xi32> to vector<16xf32>
        %add3A_357 = arith.addf %add3A_313, %bitcast3A_356 : vector<16xf32>
        %bitcast3A_358 = vector.bitcast %get3A_352 : vector<16xi32> to vector<16xf32>
        %add3A_359 = arith.addf %add3A_315, %bitcast3A_358 : vector<16xf32>
        %get3A_360 = arith.constant 23 : i32
        %get3A_361 = arith.index_cast %get3A_360 : i32 to index
        %get3A_362 = arith.index_cast %mul3A_108 : i32 to index
        %get3A_363 = tpu.vector_load %arg7[%get3A_361, %get3A_362] {strides = array<i32>} : memref<64x512xi32, #tpu.memory_space<vmem>>, vector<16xi32>,
        %shift_left3A_364 = arith.constant 16 : i32
        %shift_left3A_365 = vector.broadcast %shift_left3A_364 : i32 to vector<16xi32>
        %shift_left3A_366 = arith.shli %get3A_363, %shift_left3A_365 : vector<16xi32>
        %bitcast3A_367 = vector.bitcast %shift_left3A_366 : vector<16xi32> to vector<16xf32>
        %add3A_368 = arith.addf %add3A_324, %bitcast3A_367 : vector<16xf32>
        %bitcast3A_369 = vector.bitcast %get3A_363 : vector<16xi32> to vector<16xf32>
        %add3A_370 = arith.addf %add3A_326, %bitcast3A_369 : vector<16xf32>
        %get3A_371 = arith.constant 24 : i32
        %get3A_372 = arith.index_cast %get3A_371 : i32 to index
        %get3A_373 = arith.index_cast %mul3A_108 : i32 to index
        %get3A_374 = tpu.vector_load %arg7[%get3A_372, %get3A_373] {strides = array<i32>} : memref<64x512xi32, #tpu.memory_space<vmem>>, vector<16xi32>,
        %shift_left3A_375 = arith.constant 16 : i32
        %shift_left3A_376 = vector.broadcast %shift_left3A_375 : i32 to vector<16xi32>
        %shift_left3A_377 = arith.shli %get3A_374, %shift_left3A_376 : vector<16xi32>
        %bitcast3A_378 = vector.bitcast %shift_left3A_377 : vector<16xi32> to vector<16xf32>
        %add3A_379 = arith.addf %add3A_335, %bitcast3A_378 : vector<16xf32>
        %bitcast3A_380 = vector.bitcast %get3A_374 : vector<16xi32> to vector<16xf32>
        %add3A_381 = arith.addf %add3A_337, %bitcast3A_380 : vector<16xf32>
        %get3A_382 = arith.constant 25 : i32
        %get3A_383 = arith.index_cast %get3A_382 : i32 to index
        %get3A_384 = arith.index_cast %mul3A_108 : i32 to index
        %get3A_385 = tpu.vector_load %arg7[%get3A_383, %get3A_384] {strides = array<i32>} : memref<64x512xi32, #tpu.memory_space<vmem>>, vector<16xi32>,
        %shift_left3A_386 = arith.constant 16 : i32
        %shift_left3A_387 = vector.broadcast %shift_left3A_386 : i32 to vector<16xi32>
        %shift_left3A_388 = arith.shli %get3A_385, %shift_left3A_387 : vector<16xi32>
        %bitcast3A_389 = vector.bitcast %shift_left3A_388 : vector<16xi32> to vector<16xf32>
        %add3A_390 = arith.addf %add3A_346, %bitcast3A_389 : vector<16xf32>
        %bitcast3A_391 = vector.bitcast %get3A_385 : vector<16xi32> to vector<16xf32>
        %add3A_392 = arith.addf %add3A_348, %bitcast3A_391 : vector<16xf32>
        %get3A_393 = arith.constant 26 : i32
        %get3A_394 = arith.index_cast %get3A_393 : i32 to index
        %get3A_395 = arith.index_cast %mul3A_108 : i32 to index
        %get3A_396 = tpu.vector_load %arg7[%get3A_394, %get3A_395] {strides = array<i32>} : memref<64x512xi32, #tpu.memory_space<vmem>>, vector<16xi32>,
        %shift_left3A_397 = arith.constant 16 : i32
        %shift_left3A_398 = vector.broadcast %shift_left3A_397 : i32 to vector<16xi32>
        %shift_left3A_399 = arith.shli %get3A_396, %shift_left3A_398 : vector<16xi32>
        %bitcast3A_400 = vector.bitcast %shift_left3A_399 : vector<16xi32> to vector<16xf32>
        %add3A_401 = arith.addf %add3A_357, %bitcast3A_400 : vector<16xf32>
        %bitcast3A_402 = vector.bitcast %get3A_396 : vector<16xi32> to vector<16xf32>
        %add3A_403 = arith.addf %add3A_359, %bitcast3A_402 : vector<16xf32>
        %get3A_404 = arith.constant 27 : i32
        %get3A_405 = arith.index_cast %get3A_404 : i32 to index
        %get3A_406 = arith.index_cast %mul3A_108 : i32 to index
        %get3A_407 = tpu.vector_load %arg7[%get3A_405, %get3A_406] {strides = array<i32>} : memref<64x512xi32, #tpu.memory_space<vmem>>, vector<16xi32>,
        %shift_left3A_408 = arith.constant 16 : i32
        %shift_left3A_409 = vector.broadcast %shift_left3A_408 : i32 to vector<16xi32>
        %shift_left3A_410 = arith.shli %get3A_407, %shift_left3A_409 : vector<16xi32>
        %bitcast3A_411 = vector.bitcast %shift_left3A_410 : vector<16xi32> to vector<16xf32>
        %add3A_412 = arith.addf %add3A_368, %bitcast3A_411 : vector<16xf32>
        %bitcast3A_413 = vector.bitcast %get3A_407 : vector<16xi32> to vector<16xf32>
        %add3A_414 = arith.addf %add3A_370, %bitcast3A_413 : vector<16xf32>
        %get3A_415 = arith.constant 28 : i32
        %get3A_416 = arith.index_cast %get3A_415 : i32 to index
        %get3A_417 = arith.index_cast %mul3A_108 : i32 to index
        %get3A_418 = tpu.vector_load %arg7[%get3A_416, %get3A_417] {strides = array<i32>} : memref<64x512xi32, #tpu.memory_space<vmem>>, vector<16xi32>,
        %shift_left3A_419 = arith.constant 16 : i32
        %shift_left3A_420 = vector.broadcast %shift_left3A_419 : i32 to vector<16xi32>
        %shift_left3A_421 = arith.shli %get3A_418, %shift_left3A_420 : vector<16xi32>
        %bitcast3A_422 = vector.bitcast %shift_left3A_421 : vector<16xi32> to vector<16xf32>
        %add3A_423 = arith.addf %add3A_379, %bitcast3A_422 : vector<16xf32>
        %bitcast3A_424 = vector.bitcast %get3A_418 : vector<16xi32> to vector<16xf32>
        %add3A_425 = arith.addf %add3A_381, %bitcast3A_424 : vector<16xf32>
        %get3A_426 = arith.constant 29 : i32
        %get3A_427 = arith.index_cast %get3A_426 : i32 to index
        %get3A_428 = arith.index_cast %mul3A_108 : i32 to index
        %get3A_429 = tpu.vector_load %arg7[%get3A_427, %get3A_428] {strides = array<i32>} : memref<64x512xi32, #tpu.memory_space<vmem>>, vector<16xi32>,
        %shift_left3A_430 = arith.constant 16 : i32
        %shift_left3A_431 = vector.broadcast %shift_left3A_430 : i32 to vector<16xi32>
        %shift_left3A_432 = arith.shli %get3A_429, %shift_left3A_431 : vector<16xi32>
        %bitcast3A_433 = vector.bitcast %shift_left3A_432 : vector<16xi32> to vector<16xf32>
        %add3A_434 = arith.addf %add3A_390, %bitcast3A_433 : vector<16xf32>
        %bitcast3A_435 = vector.bitcast %get3A_429 : vector<16xi32> to vector<16xf32>
        %add3A_436 = arith.addf %add3A_392, %bitcast3A_435 : vector<16xf32>
        %get3A_437 = arith.constant 30 : i32
        %get3A_438 = arith.index_cast %get3A_437 : i32 to index
        %get3A_439 = arith.index_cast %mul3A_108 : i32 to index
        %get3A_440 = tpu.vector_load %arg7[%get3A_438, %get3A_439] {strides = array<i32>} : memref<64x512xi32, #tpu.memory_space<vmem>>, vector<16xi32>,
        %shift_left3A_441 = arith.constant 16 : i32
        %shift_left3A_442 = vector.broadcast %shift_left3A_441 : i32 to vector<16xi32>
        %shift_left3A_443 = arith.shli %get3A_440, %shift_left3A_442 : vector<16xi32>
        %bitcast3A_444 = vector.bitcast %shift_left3A_443 : vector<16xi32> to vector<16xf32>
        %add3A_445 = arith.addf %add3A_401, %bitcast3A_444 : vector<16xf32>
        %bitcast3A_446 = vector.bitcast %get3A_440 : vector<16xi32> to vector<16xf32>
        %add3A_447 = arith.addf %add3A_403, %bitcast3A_446 : vector<16xf32>
        %get3A_448 = arith.constant 31 : i32
        %get3A_449 = arith.index_cast %get3A_448 : i32 to index
        %get3A_450 = arith.index_cast %mul3A_108 : i32 to index
        %get3A_451 = tpu.vector_load %arg7[%get3A_449, %get3A_450] {strides = array<i32>} : memref<64x512xi32, #tpu.memory_space<vmem>>, vector<16xi32>,
        %shift_left3A_452 = arith.constant 16 : i32
        %shift_left3A_453 = vector.broadcast %shift_left3A_452 : i32 to vector<16xi32>
        %shift_left3A_454 = arith.shli %get3A_451, %shift_left3A_453 : vector<16xi32>
        %bitcast3A_455 = vector.bitcast %shift_left3A_454 : vector<16xi32> to vector<16xf32>
        %add3A_456 = arith.addf %add3A_412, %bitcast3A_455 : vector<16xf32>
        %bitcast3A_457 = vector.bitcast %get3A_451 : vector<16xi32> to vector<16xf32>
        %add3A_458 = arith.addf %add3A_414, %bitcast3A_457 : vector<16xf32>
        %get3A_459 = arith.constant 32 : i32
        %get3A_460 = arith.index_cast %get3A_459 : i32 to index
        %get3A_461 = arith.index_cast %mul3A_108 : i32 to index
        %get3A_462 = tpu.vector_load %arg7[%get3A_460, %get3A_461] {strides = array<i32>} : memref<64x512xi32, #tpu.memory_space<vmem>>, vector<16xi32>,
        %shift_left3A_463 = arith.constant 16 : i32
        %shift_left3A_464 = vector.broadcast %shift_left3A_463 : i32 to vector<16xi32>
        %shift_left3A_465 = arith.shli %get3A_462, %shift_left3A_464 : vector<16xi32>
        %bitcast3A_466 = vector.bitcast %shift_left3A_465 : vector<16xi32> to vector<16xf32>
        %add3A_467 = arith.addf %add3A_423, %bitcast3A_466 : vector<16xf32>
        %bitcast3A_468 = vector.bitcast %get3A_462 : vector<16xi32> to vector<16xf32>
        %add3A_469 = arith.addf %add3A_425, %bitcast3A_468 : vector<16xf32>
        %get3A_470 = arith.constant 33 : i32
        %get3A_471 = arith.index_cast %get3A_470 : i32 to index
        %get3A_472 = arith.index_cast %mul3A_108 : i32 to index
        %get3A_473 = tpu.vector_load %arg7[%get3A_471, %get3A_472] {strides = array<i32>} : memref<64x512xi32, #tpu.memory_space<vmem>>, vector<16xi32>,
        %shift_left3A_474 = arith.constant 16 : i32
        %shift_left3A_475 = vector.broadcast %shift_left3A_474 : i32 to vector<16xi32>
        %shift_left3A_476 = arith.shli %get3A_473, %shift_left3A_475 : vector<16xi32>
        %bitcast3A_477 = vector.bitcast %shift_left3A_476 : vector<16xi32> to vector<16xf32>
        %add3A_478 = arith.addf %add3A_434, %bitcast3A_477 : vector<16xf32>
        %bitcast3A_479 = vector.bitcast %get3A_473 : vector<16xi32> to vector<16xf32>
        %add3A_480 = arith.addf %add3A_436, %bitcast3A_479 : vector<16xf32>
        %get3A_481 = arith.constant 34 : i32
        %get3A_482 = arith.index_cast %get3A_481 : i32 to index
        %get3A_483 = arith.index_cast %mul3A_108 : i32 to index
        %get3A_484 = tpu.vector_load %arg7[%get3A_482, %get3A_483] {strides = array<i32>} : memref<64x512xi32, #tpu.memory_space<vmem>>, vector<16xi32>,
        %shift_left3A_485 = arith.constant 16 : i32
        %shift_left3A_486 = vector.broadcast %shift_left3A_485 : i32 to vector<16xi32>
        %shift_left3A_487 = arith.shli %get3A_484, %shift_left3A_486 : vector<16xi32>
        %bitcast3A_488 = vector.bitcast %shift_left3A_487 : vector<16xi32> to vector<16xf32>
        %add3A_489 = arith.addf %add3A_445, %bitcast3A_488 : vector<16xf32>
        %bitcast3A_490 = vector.bitcast %get3A_484 : vector<16xi32> to vector<16xf32>
        %add3A_491 = arith.addf %add3A_447, %bitcast3A_490 : vector<16xf32>
        %get3A_492 = arith.constant 35 : i32
        %get3A_493 = arith.index_cast %get3A_492 : i32 to index
        %get3A_494 = arith.index_cast %mul3A_108 : i32 to index
        %get3A_495 = tpu.vector_load %arg7[%get3A_493, %get3A_494] {strides = array<i32>} : memref<64x512xi32, #tpu.memory_space<vmem>>, vector<16xi32>,
        %shift_left3A_496 = arith.constant 16 : i32
        %shift_left3A_497 = vector.broadcast %shift_left3A_496 : i32 to vector<16xi32>
        %shift_left3A_498 = arith.shli %get3A_495, %shift_left3A_497 : vector<16xi32>
        %bitcast3A_499 = vector.bitcast %shift_left3A_498 : vector<16xi32> to vector<16xf32>
        %add3A_500 = arith.addf %add3A_456, %bitcast3A_499 : vector<16xf32>
        %bitcast3A_501 = vector.bitcast %get3A_495 : vector<16xi32> to vector<16xf32>
        %add3A_502 = arith.addf %add3A_458, %bitcast3A_501 : vector<16xf32>
        %get3A_503 = arith.constant 36 : i32
        %get3A_504 = arith.index_cast %get3A_503 : i32 to index
        %get3A_505 = arith.index_cast %mul3A_108 : i32 to index
        %get3A_506 = tpu.vector_load %arg7[%get3A_504, %get3A_505] {strides = array<i32>} : memref<64x512xi32, #tpu.memory_space<vmem>>, vector<16xi32>,
        %shift_left3A_507 = arith.constant 16 : i32
        %shift_left3A_508 = vector.broadcast %shift_left3A_507 : i32 to vector<16xi32>
        %shift_left3A_509 = arith.shli %get3A_506, %shift_left3A_508 : vector<16xi32>
        %bitcast3A_510 = vector.bitcast %shift_left3A_509 : vector<16xi32> to vector<16xf32>
        %add3A_511 = arith.addf %add3A_467, %bitcast3A_510 : vector<16xf32>
        %bitcast3A_512 = vector.bitcast %get3A_506 : vector<16xi32> to vector<16xf32>
        %add3A_513 = arith.addf %add3A_469, %bitcast3A_512 : vector<16xf32>
        %get3A_514 = arith.constant 37 : i32
        %get3A_515 = arith.index_cast %get3A_514 : i32 to index
        %get3A_516 = arith.index_cast %mul3A_108 : i32 to index
        %get3A_517 = tpu.vector_load %arg7[%get3A_515, %get3A_516] {strides = array<i32>} : memref<64x512xi32, #tpu.memory_space<vmem>>, vector<16xi32>,
        %shift_left3A_518 = arith.constant 16 : i32
        %shift_left3A_519 = vector.broadcast %shift_left3A_518 : i32 to vector<16xi32>
        %shift_left3A_520 = arith.shli %get3A_517, %shift_left3A_519 : vector<16xi32>
        %bitcast3A_521 = vector.bitcast %shift_left3A_520 : vector<16xi32> to vector<16xf32>
        %add3A_522 = arith.addf %add3A_478, %bitcast3A_521 : vector<16xf32>
        %bitcast3A_523 = vector.bitcast %get3A_517 : vector<16xi32> to vector<16xf32>
        %add3A_524 = arith.addf %add3A_480, %bitcast3A_523 : vector<16xf32>
        %get3A_525 = arith.constant 38 : i32
        %get3A_526 = arith.index_cast %get3A_525 : i32 to index
        %get3A_527 = arith.index_cast %mul3A_108 : i32 to index
        %get3A_528 = tpu.vector_load %arg7[%get3A_526, %get3A_527] {strides = array<i32>} : memref<64x512xi32, #tpu.memory_space<vmem>>, vector<16xi32>,
        %shift_left3A_529 = arith.constant 16 : i32
        %shift_left3A_530 = vector.broadcast %shift_left3A_529 : i32 to vector<16xi32>
        %shift_left3A_531 = arith.shli %get3A_528, %shift_left3A_530 : vector<16xi32>
        %bitcast3A_532 = vector.bitcast %shift_left3A_531 : vector<16xi32> to vector<16xf32>
        %add3A_533 = arith.addf %add3A_489, %bitcast3A_532 : vector<16xf32>
        %bitcast3A_534 = vector.bitcast %get3A_528 : vector<16xi32> to vector<16xf32>
        %add3A_535 = arith.addf %add3A_491, %bitcast3A_534 : vector<16xf32>
        %get3A_536 = arith.constant 39 : i32
        %get3A_537 = arith.index_cast %get3A_536 : i32 to index
        %get3A_538 = arith.index_cast %mul3A_108 : i32 to index
        %get3A_539 = tpu.vector_load %arg7[%get3A_537, %get3A_538] {strides = array<i32>} : memref<64x512xi32, #tpu.memory_space<vmem>>, vector<16xi32>,
        %shift_left3A_540 = arith.constant 16 : i32
        %shift_left3A_541 = vector.broadcast %shift_left3A_540 : i32 to vector<16xi32>
        %shift_left3A_542 = arith.shli %get3A_539, %shift_left3A_541 : vector<16xi32>
        %bitcast3A_543 = vector.bitcast %shift_left3A_542 : vector<16xi32> to vector<16xf32>
        %add3A_544 = arith.addf %add3A_500, %bitcast3A_543 : vector<16xf32>
        %bitcast3A_545 = vector.bitcast %get3A_539 : vector<16xi32> to vector<16xf32>
        %add3A_546 = arith.addf %add3A_502, %bitcast3A_545 : vector<16xf32>
        %get3A_547 = arith.constant 40 : i32
        %get3A_548 = arith.index_cast %get3A_547 : i32 to index
        %get3A_549 = arith.index_cast %mul3A_108 : i32 to index
        %get3A_550 = tpu.vector_load %arg7[%get3A_548, %get3A_549] {strides = array<i32>} : memref<64x512xi32, #tpu.memory_space<vmem>>, vector<16xi32>,
        %shift_left3A_551 = arith.constant 16 : i32
        %shift_left3A_552 = vector.broadcast %shift_left3A_551 : i32 to vector<16xi32>
        %shift_left3A_553 = arith.shli %get3A_550, %shift_left3A_552 : vector<16xi32>
        %bitcast3A_554 = vector.bitcast %shift_left3A_553 : vector<16xi32> to vector<16xf32>
        %add3A_555 = arith.addf %add3A_511, %bitcast3A_554 : vector<16xf32>
        %bitcast3A_556 = vector.bitcast %get3A_550 : vector<16xi32> to vector<16xf32>
        %add3A_557 = arith.addf %add3A_513, %bitcast3A_556 : vector<16xf32>
        %get3A_558 = arith.constant 41 : i32
        %get3A_559 = arith.index_cast %get3A_558 : i32 to index
        %get3A_560 = arith.index_cast %mul3A_108 : i32 to index
        %get3A_561 = tpu.vector_load %arg7[%get3A_559, %get3A_560] {strides = array<i32>} : memref<64x512xi32, #tpu.memory_space<vmem>>, vector<16xi32>,
        %shift_left3A_562 = arith.constant 16 : i32
        %shift_left3A_563 = vector.broadcast %shift_left3A_562 : i32 to vector<16xi32>
        %shift_left3A_564 = arith.shli %get3A_561, %shift_left3A_563 : vector<16xi32>
        %bitcast3A_565 = vector.bitcast %shift_left3A_564 : vector<16xi32> to vector<16xf32>
        %add3A_566 = arith.addf %add3A_522, %bitcast3A_565 : vector<16xf32>
        %bitcast3A_567 = vector.bitcast %get3A_561 : vector<16xi32> to vector<16xf32>
        %add3A_568 = arith.addf %add3A_524, %bitcast3A_567 : vector<16xf32>
        %get3A_569 = arith.constant 42 : i32
        %get3A_570 = arith.index_cast %get3A_569 : i32 to index
        %get3A_571 = arith.index_cast %mul3A_108 : i32 to index
        %get3A_572 = tpu.vector_load %arg7[%get3A_570, %get3A_571] {strides = array<i32>} : memref<64x512xi32, #tpu.memory_space<vmem>>, vector<16xi32>,
        %shift_left3A_573 = arith.constant 16 : i32
        %shift_left3A_574 = vector.broadcast %shift_left3A_573 : i32 to vector<16xi32>
        %shift_left3A_575 = arith.shli %get3A_572, %shift_left3A_574 : vector<16xi32>
        %bitcast3A_576 = vector.bitcast %shift_left3A_575 : vector<16xi32> to vector<16xf32>
        %add3A_577 = arith.addf %add3A_533, %bitcast3A_576 : vector<16xf32>
        %bitcast3A_578 = vector.bitcast %get3A_572 : vector<16xi32> to vector<16xf32>
        %add3A_579 = arith.addf %add3A_535, %bitcast3A_578 : vector<16xf32>
        %get3A_580 = arith.constant 43 : i32
        %get3A_581 = arith.index_cast %get3A_580 : i32 to index
        %get3A_582 = arith.index_cast %mul3A_108 : i32 to index
        %get3A_583 = tpu.vector_load %arg7[%get3A_581, %get3A_582] {strides = array<i32>} : memref<64x512xi32, #tpu.memory_space<vmem>>, vector<16xi32>,
        %shift_left3A_584 = arith.constant 16 : i32
        %shift_left3A_585 = vector.broadcast %shift_left3A_584 : i32 to vector<16xi32>
        %shift_left3A_586 = arith.shli %get3A_583, %shift_left3A_585 : vector<16xi32>
        %bitcast3A_587 = vector.bitcast %shift_left3A_586 : vector<16xi32> to vector<16xf32>
        %add3A_588 = arith.addf %add3A_544, %bitcast3A_587 : vector<16xf32>
        %bitcast3A_589 = vector.bitcast %get3A_583 : vector<16xi32> to vector<16xf32>
        %add3A_590 = arith.addf %add3A_546, %bitcast3A_589 : vector<16xf32>
        %get3A_591 = arith.constant 44 : i32
        %get3A_592 = arith.index_cast %get3A_591 : i32 to index
        %get3A_593 = arith.index_cast %mul3A_108 : i32 to index
        %get3A_594 = tpu.vector_load %arg7[%get3A_592, %get3A_593] {strides = array<i32>} : memref<64x512xi32, #tpu.memory_space<vmem>>, vector<16xi32>,
        %shift_left3A_595 = arith.constant 16 : i32
        %shift_left3A_596 = vector.broadcast %shift_left3A_595 : i32 to vector<16xi32>
        %shift_left3A_597 = arith.shli %get3A_594, %shift_left3A_596 : vector<16xi32>
        %bitcast3A_598 = vector.bitcast %shift_left3A_597 : vector<16xi32> to vector<16xf32>
        %add3A_599 = arith.addf %add3A_555, %bitcast3A_598 : vector<16xf32>
        %bitcast3A_600 = vector.bitcast %get3A_594 : vector<16xi32> to vector<16xf32>
        %add3A_601 = arith.addf %add3A_557, %bitcast3A_600 : vector<16xf32>
        %get3A_602 = arith.constant 45 : i32
        %get3A_603 = arith.index_cast %get3A_602 : i32 to index
        %get3A_604 = arith.index_cast %mul3A_108 : i32 to index
        %get3A_605 = tpu.vector_load %arg7[%get3A_603, %get3A_604] {strides = array<i32>} : memref<64x512xi32, #tpu.memory_space<vmem>>, vector<16xi32>,
        %shift_left3A_606 = arith.constant 16 : i32
        %shift_left3A_607 = vector.broadcast %shift_left3A_606 : i32 to vector<16xi32>
        %shift_left3A_608 = arith.shli %get3A_605, %shift_left3A_607 : vector<16xi32>
        %bitcast3A_609 = vector.bitcast %shift_left3A_608 : vector<16xi32> to vector<16xf32>
        %add3A_610 = arith.addf %add3A_566, %bitcast3A_609 : vector<16xf32>
        %bitcast3A_611 = vector.bitcast %get3A_605 : vector<16xi32> to vector<16xf32>
        %add3A_612 = arith.addf %add3A_568, %bitcast3A_611 : vector<16xf32>
        %get3A_613 = arith.constant 46 : i32
        %get3A_614 = arith.index_cast %get3A_613 : i32 to index
        %get3A_615 = arith.index_cast %mul3A_108 : i32 to index
        %get3A_616 = tpu.vector_load %arg7[%get3A_614, %get3A_615] {strides = array<i32>} : memref<64x512xi32, #tpu.memory_space<vmem>>, vector<16xi32>,
        %shift_left3A_617 = arith.constant 16 : i32
        %shift_left3A_618 = vector.broadcast %shift_left3A_617 : i32 to vector<16xi32>
        %shift_left3A_619 = arith.shli %get3A_616, %shift_left3A_618 : vector<16xi32>
        %bitcast3A_620 = vector.bitcast %shift_left3A_619 : vector<16xi32> to vector<16xf32>
        %add3A_621 = arith.addf %add3A_577, %bitcast3A_620 : vector<16xf32>
        %bitcast3A_622 = vector.bitcast %get3A_616 : vector<16xi32> to vector<16xf32>
        %add3A_623 = arith.addf %add3A_579, %bitcast3A_622 : vector<16xf32>
        %get3A_624 = arith.constant 47 : i32
        %get3A_625 = arith.index_cast %get3A_624 : i32 to index
        %get3A_626 = arith.index_cast %mul3A_108 : i32 to index
        %get3A_627 = tpu.vector_load %arg7[%get3A_625, %get3A_626] {strides = array<i32>} : memref<64x512xi32, #tpu.memory_space<vmem>>, vector<16xi32>,
        %shift_left3A_628 = arith.constant 16 : i32
        %shift_left3A_629 = vector.broadcast %shift_left3A_628 : i32 to vector<16xi32>
        %shift_left3A_630 = arith.shli %get3A_627, %shift_left3A_629 : vector<16xi32>
        %bitcast3A_631 = vector.bitcast %shift_left3A_630 : vector<16xi32> to vector<16xf32>
        %add3A_632 = arith.addf %add3A_588, %bitcast3A_631 : vector<16xf32>
        %bitcast3A_633 = vector.bitcast %get3A_627 : vector<16xi32> to vector<16xf32>
        %add3A_634 = arith.addf %add3A_590, %bitcast3A_633 : vector<16xf32>
        %get3A_635 = arith.constant 48 : i32
        %get3A_636 = arith.index_cast %get3A_635 : i32 to index
        %get3A_637 = arith.index_cast %mul3A_108 : i32 to index
        %get3A_638 = tpu.vector_load %arg7[%get3A_636, %get3A_637] {strides = array<i32>} : memref<64x512xi32, #tpu.memory_space<vmem>>, vector<16xi32>,
        %shift_left3A_639 = arith.constant 16 : i32
        %shift_left3A_640 = vector.broadcast %shift_left3A_639 : i32 to vector<16xi32>
        %shift_left3A_641 = arith.shli %get3A_638, %shift_left3A_640 : vector<16xi32>
        %bitcast3A_642 = vector.bitcast %shift_left3A_641 : vector<16xi32> to vector<16xf32>
        %add3A_643 = arith.addf %add3A_599, %bitcast3A_642 : vector<16xf32>
        %bitcast3A_644 = vector.bitcast %get3A_638 : vector<16xi32> to vector<16xf32>
        %add3A_645 = arith.addf %add3A_601, %bitcast3A_644 : vector<16xf32>
        %get3A_646 = arith.constant 49 : i32
        %get3A_647 = arith.index_cast %get3A_646 : i32 to index
        %get3A_648 = arith.index_cast %mul3A_108 : i32 to index
        %get3A_649 = tpu.vector_load %arg7[%get3A_647, %get3A_648] {strides = array<i32>} : memref<64x512xi32, #tpu.memory_space<vmem>>, vector<16xi32>,
        %shift_left3A_650 = arith.constant 16 : i32
        %shift_left3A_651 = vector.broadcast %shift_left3A_650 : i32 to vector<16xi32>
        %shift_left3A_652 = arith.shli %get3A_649, %shift_left3A_651 : vector<16xi32>
        %bitcast3A_653 = vector.bitcast %shift_left3A_652 : vector<16xi32> to vector<16xf32>
        %add3A_654 = arith.addf %add3A_610, %bitcast3A_653 : vector<16xf32>
        %bitcast3A_655 = vector.bitcast %get3A_649 : vector<16xi32> to vector<16xf32>
        %add3A_656 = arith.addf %add3A_612, %bitcast3A_655 : vector<16xf32>
        %get3A_657 = arith.constant 50 : i32
        %get3A_658 = arith.index_cast %get3A_657 : i32 to index
        %get3A_659 = arith.index_cast %mul3A_108 : i32 to index
        %get3A_660 = tpu.vector_load %arg7[%get3A_658, %get3A_659] {strides = array<i32>} : memref<64x512xi32, #tpu.memory_space<vmem>>, vector<16xi32>,
        %shift_left3A_661 = arith.constant 16 : i32
        %shift_left3A_662 = vector.broadcast %shift_left3A_661 : i32 to vector<16xi32>
        %shift_left3A_663 = arith.shli %get3A_660, %shift_left3A_662 : vector<16xi32>
        %bitcast3A_664 = vector.bitcast %shift_left3A_663 : vector<16xi32> to vector<16xf32>
        %add3A_665 = arith.addf %add3A_621, %bitcast3A_664 : vector<16xf32>
        %bitcast3A_666 = vector.bitcast %get3A_660 : vector<16xi32> to vector<16xf32>
        %add3A_667 = arith.addf %add3A_623, %bitcast3A_666 : vector<16xf32>
        %get3A_668 = arith.constant 51 : i32
        %get3A_669 = arith.index_cast %get3A_668 : i32 to index
        %get3A_670 = arith.index_cast %mul3A_108 : i32 to index
        %get3A_671 = tpu.vector_load %arg7[%get3A_669, %get3A_670] {strides = array<i32>} : memref<64x512xi32, #tpu.memory_space<vmem>>, vector<16xi32>,
        %shift_left3A_672 = arith.constant 16 : i32
        %shift_left3A_673 = vector.broadcast %shift_left3A_672 : i32 to vector<16xi32>
        %shift_left3A_674 = arith.shli %get3A_671, %shift_left3A_673 : vector<16xi32>
        %bitcast3A_675 = vector.bitcast %shift_left3A_674 : vector<16xi32> to vector<16xf32>
        %add3A_676 = arith.addf %add3A_632, %bitcast3A_675 : vector<16xf32>
        %bitcast3A_677 = vector.bitcast %get3A_671 : vector<16xi32> to vector<16xf32>
        %add3A_678 = arith.addf %add3A_634, %bitcast3A_677 : vector<16xf32>
        %get3A_679 = arith.constant 52 : i32
        %get3A_680 = arith.index_cast %get3A_679 : i32 to index
        %get3A_681 = arith.index_cast %mul3A_108 : i32 to index
        %get3A_682 = tpu.vector_load %arg7[%get3A_680, %get3A_681] {strides = array<i32>} : memref<64x512xi32, #tpu.memory_space<vmem>>, vector<16xi32>,
        %shift_left3A_683 = arith.constant 16 : i32
        %shift_left3A_684 = vector.broadcast %shift_left3A_683 : i32 to vector<16xi32>
        %shift_left3A_685 = arith.shli %get3A_682, %shift_left3A_684 : vector<16xi32>
        %bitcast3A_686 = vector.bitcast %shift_left3A_685 : vector<16xi32> to vector<16xf32>
        %add3A_687 = arith.addf %add3A_643, %bitcast3A_686 : vector<16xf32>
        %bitcast3A_688 = vector.bitcast %get3A_682 : vector<16xi32> to vector<16xf32>
        %add3A_689 = arith.addf %add3A_645, %bitcast3A_688 : vector<16xf32>
        %get3A_690 = arith.constant 53 : i32
        %get3A_691 = arith.index_cast %get3A_690 : i32 to index
        %get3A_692 = arith.index_cast %mul3A_108 : i32 to index
        %get3A_693 = tpu.vector_load %arg7[%get3A_691, %get3A_692] {strides = array<i32>} : memref<64x512xi32, #tpu.memory_space<vmem>>, vector<16xi32>,
        %shift_left3A_694 = arith.constant 16 : i32
        %shift_left3A_695 = vector.broadcast %shift_left3A_694 : i32 to vector<16xi32>
        %shift_left3A_696 = arith.shli %get3A_693, %shift_left3A_695 : vector<16xi32>
        %bitcast3A_697 = vector.bitcast %shift_left3A_696 : vector<16xi32> to vector<16xf32>
        %add3A_698 = arith.addf %add3A_654, %bitcast3A_697 : vector<16xf32>
        %bitcast3A_699 = vector.bitcast %get3A_693 : vector<16xi32> to vector<16xf32>
        %add3A_700 = arith.addf %add3A_656, %bitcast3A_699 : vector<16xf32>
        %get3A_701 = arith.constant 54 : i32
        %get3A_702 = arith.index_cast %get3A_701 : i32 to index
        %get3A_703 = arith.index_cast %mul3A_108 : i32 to index
        %get3A_704 = tpu.vector_load %arg7[%get3A_702, %get3A_703] {strides = array<i32>} : memref<64x512xi32, #tpu.memory_space<vmem>>, vector<16xi32>,
        %shift_left3A_705 = arith.constant 16 : i32
        %shift_left3A_706 = vector.broadcast %shift_left3A_705 : i32 to vector<16xi32>
        %shift_left3A_707 = arith.shli %get3A_704, %shift_left3A_706 : vector<16xi32>
        %bitcast3A_708 = vector.bitcast %shift_left3A_707 : vector<16xi32> to vector<16xf32>
        %add3A_709 = arith.addf %add3A_665, %bitcast3A_708 : vector<16xf32>
        %bitcast3A_710 = vector.bitcast %get3A_704 : vector<16xi32> to vector<16xf32>
        %add3A_711 = arith.addf %add3A_667, %bitcast3A_710 : vector<16xf32>
        %get3A_712 = arith.constant 55 : i32
        %get3A_713 = arith.index_cast %get3A_712 : i32 to index
        %get3A_714 = arith.index_cast %mul3A_108 : i32 to index
        %get3A_715 = tpu.vector_load %arg7[%get3A_713, %get3A_714] {strides = array<i32>} : memref<64x512xi32, #tpu.memory_space<vmem>>, vector<16xi32>,
        %shift_left3A_716 = arith.constant 16 : i32
        %shift_left3A_717 = vector.broadcast %shift_left3A_716 : i32 to vector<16xi32>
        %shift_left3A_718 = arith.shli %get3A_715, %shift_left3A_717 : vector<16xi32>
        %bitcast3A_719 = vector.bitcast %shift_left3A_718 : vector<16xi32> to vector<16xf32>
        %add3A_720 = arith.addf %add3A_676, %bitcast3A_719 : vector<16xf32>
        %bitcast3A_721 = vector.bitcast %get3A_715 : vector<16xi32> to vector<16xf32>
        %add3A_722 = arith.addf %add3A_678, %bitcast3A_721 : vector<16xf32>
        %get3A_723 = arith.constant 56 : i32
        %get3A_724 = arith.index_cast %get3A_723 : i32 to index
        %get3A_725 = arith.index_cast %mul3A_108 : i32 to index
        %get3A_726 = tpu.vector_load %arg7[%get3A_724, %get3A_725] {strides = array<i32>} : memref<64x512xi32, #tpu.memory_space<vmem>>, vector<16xi32>,
        %shift_left3A_727 = arith.constant 16 : i32
        %shift_left3A_728 = vector.broadcast %shift_left3A_727 : i32 to vector<16xi32>
        %shift_left3A_729 = arith.shli %get3A_726, %shift_left3A_728 : vector<16xi32>
        %bitcast3A_730 = vector.bitcast %shift_left3A_729 : vector<16xi32> to vector<16xf32>
        %add3A_731 = arith.addf %add3A_687, %bitcast3A_730 : vector<16xf32>
        %bitcast3A_732 = vector.bitcast %get3A_726 : vector<16xi32> to vector<16xf32>
        %add3A_733 = arith.addf %add3A_689, %bitcast3A_732 : vector<16xf32>
        %get3A_734 = arith.constant 57 : i32
        %get3A_735 = arith.index_cast %get3A_734 : i32 to index
        %get3A_736 = arith.index_cast %mul3A_108 : i32 to index
        %get3A_737 = tpu.vector_load %arg7[%get3A_735, %get3A_736] {strides = array<i32>} : memref<64x512xi32, #tpu.memory_space<vmem>>, vector<16xi32>,
        %shift_left3A_738 = arith.constant 16 : i32
        %shift_left3A_739 = vector.broadcast %shift_left3A_738 : i32 to vector<16xi32>
        %shift_left3A_740 = arith.shli %get3A_737, %shift_left3A_739 : vector<16xi32>
        %bitcast3A_741 = vector.bitcast %shift_left3A_740 : vector<16xi32> to vector<16xf32>
        %add3A_742 = arith.addf %add3A_698, %bitcast3A_741 : vector<16xf32>
        %bitcast3A_743 = vector.bitcast %get3A_737 : vector<16xi32> to vector<16xf32>
        %add3A_744 = arith.addf %add3A_700, %bitcast3A_743 : vector<16xf32>
        %get3A_745 = arith.constant 58 : i32
        %get3A_746 = arith.index_cast %get3A_745 : i32 to index
        %get3A_747 = arith.index_cast %mul3A_108 : i32 to index
        %get3A_748 = tpu.vector_load %arg7[%get3A_746, %get3A_747] {strides = array<i32>} : memref<64x512xi32, #tpu.memory_space<vmem>>, vector<16xi32>,
        %shift_left3A_749 = arith.constant 16 : i32
        %shift_left3A_750 = vector.broadcast %shift_left3A_749 : i32 to vector<16xi32>
        %shift_left3A_751 = arith.shli %get3A_748, %shift_left3A_750 : vector<16xi32>
        %bitcast3A_752 = vector.bitcast %shift_left3A_751 : vector<16xi32> to vector<16xf32>
        %add3A_753 = arith.addf %add3A_709, %bitcast3A_752 : vector<16xf32>
        %bitcast3A_754 = vector.bitcast %get3A_748 : vector<16xi32> to vector<16xf32>
        %add3A_755 = arith.addf %add3A_711, %bitcast3A_754 : vector<16xf32>
        %get3A_756 = arith.constant 59 : i32
        %get3A_757 = arith.index_cast %get3A_756 : i32 to index
        %get3A_758 = arith.index_cast %mul3A_108 : i32 to index
        %get3A_759 = tpu.vector_load %arg7[%get3A_757, %get3A_758] {strides = array<i32>} : memref<64x512xi32, #tpu.memory_space<vmem>>, vector<16xi32>,
        %shift_left3A_760 = arith.constant 16 : i32
        %shift_left3A_761 = vector.broadcast %shift_left3A_760 : i32 to vector<16xi32>
        %shift_left3A_762 = arith.shli %get3A_759, %shift_left3A_761 : vector<16xi32>
        %bitcast3A_763 = vector.bitcast %shift_left3A_762 : vector<16xi32> to vector<16xf32>
        %add3A_764 = arith.addf %add3A_720, %bitcast3A_763 : vector<16xf32>
        %bitcast3A_765 = vector.bitcast %get3A_759 : vector<16xi32> to vector<16xf32>
        %add3A_766 = arith.addf %add3A_722, %bitcast3A_765 : vector<16xf32>
        %get3A_767 = arith.constant 60 : i32
        %get3A_768 = arith.index_cast %get3A_767 : i32 to index
        %get3A_769 = arith.index_cast %mul3A_108 : i32 to index
        %get3A_770 = tpu.vector_load %arg7[%get3A_768, %get3A_769] {strides = array<i32>} : memref<64x512xi32, #tpu.memory_space<vmem>>, vector<16xi32>,
        %shift_left3A_771 = arith.constant 16 : i32
        %shift_left3A_772 = vector.broadcast %shift_left3A_771 : i32 to vector<16xi32>
        %shift_left3A_773 = arith.shli %get3A_770, %shift_left3A_772 : vector<16xi32>
        %bitcast3A_774 = vector.bitcast %shift_left3A_773 : vector<16xi32> to vector<16xf32>
        %add3A_775 = arith.addf %add3A_731, %bitcast3A_774 : vector<16xf32>
        %bitcast3A_776 = vector.bitcast %get3A_770 : vector<16xi32> to vector<16xf32>
        %add3A_777 = arith.addf %add3A_733, %bitcast3A_776 : vector<16xf32>
        %get3A_778 = arith.constant 61 : i32
        %get3A_779 = arith.index_cast %get3A_778 : i32 to index
        %get3A_780 = arith.index_cast %mul3A_108 : i32 to index
        %get3A_781 = tpu.vector_load %arg7[%get3A_779, %get3A_780] {strides = array<i32>} : memref<64x512xi32, #tpu.memory_space<vmem>>, vector<16xi32>,
        %shift_left3A_782 = arith.constant 16 : i32
        %shift_left3A_783 = vector.broadcast %shift_left3A_782 : i32 to vector<16xi32>
        %shift_left3A_784 = arith.shli %get3A_781, %shift_left3A_783 : vector<16xi32>
        %bitcast3A_785 = vector.bitcast %shift_left3A_784 : vector<16xi32> to vector<16xf32>
        %add3A_786 = arith.addf %add3A_742, %bitcast3A_785 : vector<16xf32>
        %bitcast3A_787 = vector.bitcast %get3A_781 : vector<16xi32> to vector<16xf32>
        %add3A_788 = arith.addf %add3A_744, %bitcast3A_787 : vector<16xf32>
        %get3A_789 = arith.constant 62 : i32
        %get3A_790 = arith.index_cast %get3A_789 : i32 to index
        %get3A_791 = arith.index_cast %mul3A_108 : i32 to index
        %get3A_792 = tpu.vector_load %arg7[%get3A_790, %get3A_791] {strides = array<i32>} : memref<64x512xi32, #tpu.memory_space<vmem>>, vector<16xi32>,
        %shift_left3A_793 = arith.constant 16 : i32
        %shift_left3A_794 = vector.broadcast %shift_left3A_793 : i32 to vector<16xi32>
        %shift_left3A_795 = arith.shli %get3A_792, %shift_left3A_794 : vector<16xi32>
        %bitcast3A_796 = vector.bitcast %shift_left3A_795 : vector<16xi32> to vector<16xf32>
        %add3A_797 = arith.addf %add3A_753, %bitcast3A_796 : vector<16xf32>
        %bitcast3A_798 = vector.bitcast %get3A_792 : vector<16xi32> to vector<16xf32>
        %add3A_799 = arith.addf %add3A_755, %bitcast3A_798 : vector<16xf32>
        %get3A_800 = arith.constant 63 : i32
        %get3A_801 = arith.index_cast %get3A_800 : i32 to index
        %get3A_802 = arith.index_cast %mul3A_108 : i32 to index
        %get3A_803 = tpu.vector_load %arg7[%get3A_801, %get3A_802] {strides = array<i32>} : memref<64x512xi32, #tpu.memory_space<vmem>>, vector<16xi32>,
        %shift_left3A_804 = arith.constant 16 : i32
        %shift_left3A_805 = vector.broadcast %shift_left3A_804 : i32 to vector<16xi32>
        %shift_left3A_806 = arith.shli %get3A_803, %shift_left3A_805 : vector<16xi32>
        %bitcast3A_807 = vector.bitcast %shift_left3A_806 : vector<16xi32> to vector<16xf32>
        %add3A_808 = arith.addf %add3A_764, %bitcast3A_807 : vector<16xf32>
        %bitcast3A_809 = vector.bitcast %get3A_803 : vector<16xi32> to vector<16xf32>
        %add3A_810 = arith.addf %add3A_766, %bitcast3A_809 : vector<16xf32>
        %add3A_811 = arith.addf %add3A_775, %add3A_786 : vector<16xf32>
        %add3A_812 = arith.addf %add3A_797, %add3A_808 : vector<16xf32>
        %add3A_813 = arith.addf %add3A_811, %add3A_812 : vector<16xf32>
        %add3A_814 = arith.addf %add3A_777, %add3A_788 : vector<16xf32>
        %add3A_815 = arith.addf %add3A_799, %add3A_810 : vector<16xf32>
        %add3A_816 = arith.addf %add3A_814, %add3A_815 : vector<16xf32>
        %get3A_817 = arith.constant 0 : i32
        %get3A_818 = arith.index_cast %rem3A_51 : i32 to index
        %get3A_819 = arith.index_cast %get3A_817 : i32 to index
        %get3A_820 = arith.index_cast %mul3A_108 : i32 to index
        %get3A_821 = tpu.vector_load %arg9[%get3A_818, %get3A_819, %get3A_820] {strides = array<i32>} : memref<2x2x448xf32, #tpu.memory_space<vmem>>, vector<16xf32>,
        %add3A_822 = arith.addf %get3A_821, %add3A_813 : vector<16xf32>
        %mul3A_823 = arith.constant 7.812500e-03 : f32
        %mul3A_824 = vector.broadcast %mul3A_823 : f32 to vector<16xf32>
        %mul3A_825 = arith.mulf %add3A_822, %mul3A_824 : vector<16xf32>
        %swap3A = arith.index_cast %rem3A_51 : i32 to index
        %swap3A_826 = arith.index_cast %mul3A_108 : i32 to index
        %swap3A_827 = tpu.vector_load %arg8[%swap3A, %swap3A_826] {strides = array<i32>} : memref<2x896xf32, #tpu.memory_space<vmem>>, vector<16xf32>,
        tpu.vector_store %arg8[%swap3A, %swap3A_826], %mul3A_825 {strides = array<i32>} : memref<2x896xf32, #tpu.memory_space<vmem>>, vector<16xf32>,
        %get3A_828 = arith.constant 1 : i32
        %get3A_829 = arith.index_cast %rem3A_51 : i32 to index
        %get3A_830 = arith.index_cast %get3A_828 : i32 to index
        %get3A_831 = arith.index_cast %mul3A_108 : i32 to index
        %get3A_832 = tpu.vector_load %arg9[%get3A_829, %get3A_830, %get3A_831] {strides = array<i32>} : memref<2x2x448xf32, #tpu.memory_space<vmem>>, vector<16xf32>,
        %add3A_833 = arith.addf %get3A_832, %add3A_816 : vector<16xf32>
        %mul3A_834 = arith.constant 7.812500e-03 : f32
        %mul3A_835 = vector.broadcast %mul3A_834 : f32 to vector<16xf32>
        %mul3A_836 = arith.mulf %add3A_833, %mul3A_835 : vector<16xf32>
        %mul3A_837 = arith.constant 16 : i32
        %mul3A_838 = arith.muli %scan3A_105, %mul3A_837 : i32
        %add3A_839 = arith.constant 448 : i32
        %add3A_840 = arith.addi %add3A_839, %mul3A_838 : i32
        %swap3A_841 = arith.index_cast %rem3A_51 : i32 to index
        %swap3A_842 = arith.index_cast %add3A_840 : i32 to index
        %swap3A_843 = tpu.vector_load %arg8[%swap3A_841, %swap3A_842] {strides = array<i32>} : memref<2x896xf32, #tpu.memory_space<vmem>>, vector<16xf32>,
        tpu.vector_store %arg8[%swap3A_841, %swap3A_842], %mul3A_836 {strides = array<i32>} : memref<2x896xf32, #tpu.memory_space<vmem>>, vector<16xf32>,
        %scan3A_844 = arith.constant 0 : i32
        scf.yield %scan3A_844 : i32
      }
      %scan3A_85 = arith.constant 28 : i32
      %lt3A_86 = arith.constant 127 : i32
      %lt3A_87 = arith.cmpi slt, %scan3A_49, %lt3A_86 : i32
      %convert_element_type3A_88 = arith.extui %lt3A_87 : i1 to i32
      %cond3A_89 = arith.constant 0 : i32
      %cond3A_90 = arith.cmpi ne, %convert_element_type3A_88, %cond3A_89 : i32
      scf.if %cond3A_90 {
        %add3A_105 = arith.constant 1 : i32
        %add3A_106 = arith.addi %scan3A_49, %add3A_105 : i32
        %dma_start3A_107 = arith.constant 64 : i32
        %dma_start3A_108 = tpu.memref_slice %arg5[%add3A_106, %dma_start3A_107] : memref<128x128xi32, #tpu.memory_space<vmem>> -> memref<1x64xi32, #tpu.memory_space<vmem>>
        %dma_start3A_109 = tpu.memref_squeeze %dma_start3A_108 : memref<1x64xi32, #tpu.memory_space<vmem>> -> memref<64xi32, #tpu.memory_space<vmem>>
        %dma_start3A_110 = arith.constant 0 : i32
        %dma_start3A_111 = arith.constant 0 : i32
        %dma_start3A_112 = tpu.memref_slice %arg3[%dma_start3A_110, %dma_start3A_111] : memref<32128x512xi32, #tpu.memory_space<hbm>> -> memref<32128x512xi32, #tpu.memory_space<hbm>>
        tpu.enqueue_indirect_dma source(%dma_start3A_112 : memref<32128x512xi32, #tpu.memory_space<hbm>>) target(%arg7 : memref<64x512xi32, #tpu.memory_space<vmem>>) offsets(%dma_start3A_109 : memref<64xi32, #tpu.memory_space<vmem>>) semaphore(%arg11 : memref<!tpu.dma_semaphore, #tpu.memory_space<semaphore_mem>>)
      } else {
      }
      %add3A_91 = arith.addi %add3A_4, %scan3A_49 : i32
      %dma_start3A_92 = arith.constant 0 : i32
      %dma_start3A_93 = tpu.memref_slice %arg8[%rem3A_51, %dma_start3A_92] : memref<2x896xf32, #tpu.memory_space<vmem>> -> memref<1x896xf32, #tpu.memory_space<vmem>>
      %dma_start3A_94 = tpu.memref_squeeze %dma_start3A_93 : memref<1x896xf32, #tpu.memory_space<vmem>> -> memref<896xf32, #tpu.memory_space<vmem>>
      %dma_start3A_95 = arith.constant 0 : i32
      %dma_start3A_96 = tpu.memref_slice %arg4[%add3A_91, %dma_start3A_95] : memref<4096x896xf32, #tpu.memory_space<hbm>> -> memref<1x896xf32, #tpu.memory_space<hbm>>
      %dma_start3A_97 = tpu.memref_squeeze %dma_start3A_96 : memref<1x896xf32, #tpu.memory_space<hbm>> -> memref<896xf32, #tpu.memory_space<hbm>>
      %dma_start3A_98 = arith.constant 0 : i32
      %dma_start3A_99 = tpu.memref_slice %arg4[%add3A_91, %dma_start3A_98] : memref<4096x896xf32, #tpu.memory_space<hbm>> -> memref<1x896xf32, #tpu.memory_space<hbm>>
      %dma_start3A_100 = tpu.memref_squeeze %dma_start3A_99 : memref<1x896xf32, #tpu.memory_space<hbm>> -> memref<896xf32, #tpu.memory_space<hbm>>
      %dma_start3A_101 = arith.constant 0 : i32
      %dma_start3A_102 = tpu.memref_slice %arg8[%rem3A_51, %dma_start3A_101] : memref<2x896xf32, #tpu.memory_space<vmem>> -> memref<1x896xf32, #tpu.memory_space<vmem>>
      %dma_start3A_103 = tpu.memref_squeeze %dma_start3A_102 : memref<1x896xf32, #tpu.memory_space<vmem>> -> memref<896xf32, #tpu.memory_space<vmem>>
      tpu.enqueue_dma source(%dma_start3A_103 : memref<896xf32, #tpu.memory_space<vmem>>) target(%dma_start3A_100 : memref<896xf32, #tpu.memory_space<hbm>>) target_semaphore(%arg12 : memref<!tpu.dma_semaphore, #tpu.memory_space<semaphore_mem>>)
      %scan3A_104 = arith.constant 0 : i32
      scf.yield %scan3A_104 : i32
    }
    %scan3A_23 = arith.constant 128 : i32
    %dma_wait3A = arith.constant 0 : i32
    %dma_wait3A_24 = arith.constant 0 : i32
    %dma_wait3A_25 = tpu.memref_slice %arg8[%dma_wait3A, %dma_wait3A_24] : memref<2x896xf32, #tpu.memory_space<vmem>> -> memref<1x896xf32, #tpu.memory_space<vmem>>
    %dma_wait3A_26 = tpu.memref_squeeze %dma_wait3A_25 : memref<1x896xf32, #tpu.memory_space<vmem>> -> memref<896xf32, #tpu.memory_space<vmem>>
    %dma_wait3A_27 = arith.constant 0 : i32
    %dma_wait3A_28 = tpu.memref_slice %arg4[%add3A_4, %dma_wait3A_27] : memref<4096x896xf32, #tpu.memory_space<hbm>> -> memref<1x896xf32, #tpu.memory_space<hbm>>
    %dma_wait3A_29 = tpu.memref_squeeze %dma_wait3A_28 : memref<1x896xf32, #tpu.memory_space<hbm>> -> memref<896xf32, #tpu.memory_space<hbm>>
    %dma_wait3A_30 = arith.constant 0 : i32
    %dma_wait3A_31 = tpu.memref_slice %arg4[%add3A_4, %dma_wait3A_30] : memref<4096x896xf32, #tpu.memory_space<hbm>> -> memref<1x896xf32, #tpu.memory_space<hbm>>
    %dma_wait3A_32 = tpu.memref_squeeze %dma_wait3A_31 : memref<1x896xf32, #tpu.memory_space<hbm>> -> memref<896xf32, #tpu.memory_space<hbm>>
    %dma_wait3A_33 = arith.constant 0 : i32
    %dma_wait3A_34 = tpu.memref_slice %arg8[%dma_wait3A, %dma_wait3A_33] : memref<2x896xf32, #tpu.memory_space<vmem>> -> memref<1x896xf32, #tpu.memory_space<vmem>>
    %dma_wait3A_35 = tpu.memref_squeeze %dma_wait3A_34 : memref<1x896xf32, #tpu.memory_space<vmem>> -> memref<896xf32, #tpu.memory_space<vmem>>
    tpu.wait_dma2 semaphore(%arg12 : memref<!tpu.dma_semaphore, #tpu.memory_space<semaphore_mem>>) src(%dma_wait3A_35 : memref<896xf32, #tpu.memory_space<vmem>>) dst(%dma_wait3A_32 : memref<896xf32, #tpu.memory_space<hbm>>)
    %dma_wait3A_36 = arith.constant 1 : i32
    %dma_wait3A_37 = arith.constant 0 : i32
    %dma_wait3A_38 = tpu.memref_slice %arg8[%dma_wait3A_36, %dma_wait3A_37] : memref<2x896xf32, #tpu.memory_space<vmem>> -> memref<1x896xf32, #tpu.memory_space<vmem>>
    %dma_wait3A_39 = tpu.memref_squeeze %dma_wait3A_38 : memref<1x896xf32, #tpu.memory_space<vmem>> -> memref<896xf32, #tpu.memory_space<vmem>>
    %dma_wait3A_40 = arith.constant 0 : i32
    %dma_wait3A_41 = tpu.memref_slice %arg4[%add3A_4, %dma_wait3A_40] : memref<4096x896xf32, #tpu.memory_space<hbm>> -> memref<1x896xf32, #tpu.memory_space<hbm>>
    %dma_wait3A_42 = tpu.memref_squeeze %dma_wait3A_41 : memref<1x896xf32, #tpu.memory_space<hbm>> -> memref<896xf32, #tpu.memory_space<hbm>>
    %dma_wait3A_43 = arith.constant 0 : i32
    %dma_wait3A_44 = tpu.memref_slice %arg4[%add3A_4, %dma_wait3A_43] : memref<4096x896xf32, #tpu.memory_space<hbm>> -> memref<1x896xf32, #tpu.memory_space<hbm>>
    %dma_wait3A_45 = tpu.memref_squeeze %dma_wait3A_44 : memref<1x896xf32, #tpu.memory_space<hbm>> -> memref<896xf32, #tpu.memory_space<hbm>>
    %dma_wait3A_46 = arith.constant 0 : i32
    %dma_wait3A_47 = tpu.memref_slice %arg8[%dma_wait3A_36, %dma_wait3A_46] : memref<2x896xf32, #tpu.memory_space<vmem>> -> memref<1x896xf32, #tpu.memory_space<vmem>>
    %dma_wait3A_48 = tpu.memref_squeeze %dma_wait3A_47 : memref<1x896xf32, #tpu.memory_space<vmem>> -> memref<896xf32, #tpu.memory_space<vmem>>
    tpu.wait_dma2 semaphore(%arg12 : memref<!tpu.dma_semaphore, #tpu.memory_space<semaphore_mem>>) src(%dma_wait3A_48 : memref<896xf32, #tpu.memory_space<vmem>>) dst(%dma_wait3A_45 : memref<896xf32, #tpu.memory_space<hbm>>)
    return
  }
}

module attributes {stable_mosaic.version = 14 : i64} {
  func.func @_proj_norm_body(%arg0: i32, %arg1: memref<1x896xf32, #tpu.memory_space<vmem>>, %arg2: memref<1024x896xf32, #tpu.memory_space<vmem>>, %arg3: memref<896x896xf32, #tpu.memory_space<vmem>>, %arg4: memref<1024x512xi32, #tpu.memory_space<vmem>>) attributes {dimension_semantics = [#tpu.dimension_semantics<arbitrary>], iteration_bounds = array<i64: 32>, scalar_prefetch = 0 : i64, scratch_operands = 0 : i64, tpu.core_type = #tpu.core_type<tc>, window_params = [{pipeline_mode = #tpu.pipeline_mode<synchronous>, transform_indices = @transform_0, window_bounds = array<i64: 1, 896>}, {transform_indices = @transform_1, window_bounds = array<i64: 1024, 896>}, {pipeline_mode = #tpu.pipeline_mode<synchronous>, transform_indices = @transform_2, window_bounds = array<i64: 896, 896>}, {transform_indices = @transform_3, window_bounds = array<i64: 1024, 512>}]} {
    %get3A = arith.constant 0 : index
    %get3A_0 = arith.constant 0 : index
    %get3A_1 = vector.load %arg2[%get3A, %get3A_0] : memref<1024x896xf32, #tpu.memory_space<vmem>>, vector<1024x896xf32>
    %get3A_2 = arith.constant 0 : index
    %get3A_3 = arith.constant 0 : index
    %get3A_4 = vector.load %arg3[%get3A_2, %get3A_3] : memref<896x896xf32, #tpu.memory_space<vmem>>, vector<896x896xf32>
    %dot_general3A = arith.constant dense<0.000000e+00> : vector<1024x896xf32>
    %dot_general3A_5 = tpu.matmul %get3A_1, %get3A_4, %dot_general3A {dimension_numbers = #tpu.dot_dimension_numbers<[1], [1], [0], [0], [0, 0, 1, 0], [], []>, transpose_lhs_hint = false} : vector<1024x896xf32>, vector<896x896xf32>, vector<1024x896xf32> -> vector<1024x896xf32>
    %mul3A = arith.mulf %dot_general3A_5, %dot_general3A_5 : vector<1024x896xf32>
    %reduce_sum3A = arith.constant dense<0.000000e+00> : vector<1024xf32>
    %reduce_sum3A_6 = vector.multi_reduction <add>, %mul3A, %reduce_sum3A [1] : vector<1024x896xf32> to vector<1024xf32>
    %broadcast_in_dim3A = vector.shape_cast %reduce_sum3A_6 : vector<1024xf32> to vector<1024x1xf32>
    %div3A = arith.constant 8.960000e+02 : f32
    %div3A_7 = vector.broadcast %div3A : f32 to vector<1024x1xf32>
    %div3A_8 = arith.divf %broadcast_in_dim3A, %div3A_7 : vector<1024x1xf32>
    %add3A = arith.constant 1.1920929E-7 : f32
    %add3A_9 = vector.broadcast %add3A : f32 to vector<1024x1xf32>
    %add3A_10 = arith.addf %div3A_8, %add3A_9 : vector<1024x1xf32>
    %rsqrt3A = math.rsqrt %add3A_10 : vector<1024x1xf32>
    %mul3A_11 = vector.broadcast %rsqrt3A : vector<1024x1xf32> to vector<1024x896xf32>
    %mul3A_12 = arith.mulf %dot_general3A_5, %mul3A_11 : vector<1024x896xf32>
    %get3A_13 = arith.constant 0 : index
    %get3A_14 = arith.constant 0 : index
    %get3A_15 = vector.load %arg1[%get3A_13, %get3A_14] : memref<1x896xf32, #tpu.memory_space<vmem>>, vector<1x896xf32>
    %mul3A_16 = vector.broadcast %get3A_15 : vector<1x896xf32> to vector<1024x896xf32>
    %mul3A_17 = arith.mulf %mul3A_12, %mul3A_16 : vector<1024x896xf32>
    %slice3A = vector.extract_strided_slice %mul3A_17 {offsets = [0, 0], sizes = [1024, 448], strides = [1, 1]} : vector<1024x896xf32> to vector<1024x448xf32>
    %bitcast_convert_type3A = tpu.bitcast %slice3A : vector<1024x448xf32> -> vector<1024x448xi32>
    %add3A_18 = arith.constant 32767 : i32
    %add3A_19 = vector.broadcast %add3A_18 : i32 to vector<1024x448xi32>
    %add3A_20 = arith.addi %bitcast_convert_type3A, %add3A_19 : vector<1024x448xi32>
    %shift_right_logical3A = arith.constant 16 : i32
    %shift_right_logical3A_21 = vector.broadcast %shift_right_logical3A : i32 to vector<1024x448xi32>
    %shift_right_logical3A_22 = arith.shrui %bitcast_convert_type3A, %shift_right_logical3A_21 : vector<1024x448xi32>
    %and3A = arith.constant 1 : i32
    %and3A_23 = vector.broadcast %and3A : i32 to vector<1024x448xi32>
    %and3A_24 = arith.andi %shift_right_logical3A_22, %and3A_23 : vector<1024x448xi32>
    %add3A_25 = arith.addi %add3A_20, %and3A_24 : vector<1024x448xi32>
    %shift_right_logical3A_26 = arith.constant 16 : i32
    %shift_right_logical3A_27 = vector.broadcast %shift_right_logical3A_26 : i32 to vector<1024x448xi32>
    %shift_right_logical3A_28 = arith.shrui %add3A_25, %shift_right_logical3A_27 : vector<1024x448xi32>
    %and3A_29 = arith.constant 65535 : i32
    %and3A_30 = vector.broadcast %and3A_29 : i32 to vector<1024x448xi32>
    %and3A_31 = arith.andi %shift_right_logical3A_28, %and3A_30 : vector<1024x448xi32>
    %slice3A_32 = vector.extract_strided_slice %mul3A_17 {offsets = [0, 448], sizes = [1024, 448], strides = [1, 1]} : vector<1024x896xf32> to vector<1024x448xf32>
    %bitcast_convert_type3A_33 = tpu.bitcast %slice3A_32 : vector<1024x448xf32> -> vector<1024x448xi32>
    %add3A_34 = arith.constant 32767 : i32
    %add3A_35 = vector.broadcast %add3A_34 : i32 to vector<1024x448xi32>
    %add3A_36 = arith.addi %bitcast_convert_type3A_33, %add3A_35 : vector<1024x448xi32>
    %shift_right_logical3A_37 = arith.constant 16 : i32
    %shift_right_logical3A_38 = vector.broadcast %shift_right_logical3A_37 : i32 to vector<1024x448xi32>
    %shift_right_logical3A_39 = arith.shrui %bitcast_convert_type3A_33, %shift_right_logical3A_38 : vector<1024x448xi32>
    %and3A_40 = arith.constant 1 : i32
    %and3A_41 = vector.broadcast %and3A_40 : i32 to vector<1024x448xi32>
    %and3A_42 = arith.andi %shift_right_logical3A_39, %and3A_41 : vector<1024x448xi32>
    %add3A_43 = arith.addi %add3A_36, %and3A_42 : vector<1024x448xi32>
    %shift_right_logical3A_44 = arith.constant 16 : i32
    %shift_right_logical3A_45 = vector.broadcast %shift_right_logical3A_44 : i32 to vector<1024x448xi32>
    %shift_right_logical3A_46 = arith.shrui %add3A_43, %shift_right_logical3A_45 : vector<1024x448xi32>
    %shift_left3A = arith.constant 16 : i32
    %shift_left3A_47 = vector.broadcast %shift_left3A : i32 to vector<1024x448xi32>
    %shift_left3A_48 = arith.shli %shift_right_logical3A_46, %shift_left3A_47 : vector<1024x448xi32>
    %or3A = arith.ori %and3A_31, %shift_left3A_48 : vector<1024x448xi32>
    %swap3A = arith.constant 0 : index
    %swap3A_49 = arith.constant 0 : index
    %swap3A_50 = vector.load %arg4[%swap3A, %swap3A_49] : memref<1024x512xi32, #tpu.memory_space<vmem>>, vector<1024x448xi32>
    tpu.vector_store %arg4[%swap3A, %swap3A_49], %or3A {strides = array<i32>} : memref<1024x512xi32, #tpu.memory_space<vmem>>, vector<1024x448xi32>,
    return
  }
  func.func @transform_0(%arg0: i32) -> (i32, i32) {
    %c0_i32 = arith.constant 0 : i32
    %c0_i32_0 = arith.constant 0 : i32
    %c0_i32_1 = arith.constant 0 : i32
    return %c0_i32, %c0_i32_0 : i32, i32
  }
  func.func @transform_1(%arg0: i32) -> (i32, i32) {
    %c0_i32 = arith.constant 0 : i32
    %c0_i32_0 = arith.constant 0 : i32
    return %arg0, %c0_i32 : i32, i32
  }
  func.func @transform_2(%arg0: i32) -> (i32, i32) {
    %c0_i32 = arith.constant 0 : i32
    %c0_i32_0 = arith.constant 0 : i32
    %c0_i32_1 = arith.constant 0 : i32
    return %c0_i32, %c0_i32_0 : i32, i32
  }
  func.func @transform_3(%arg0: i32) -> (i32, i32) {
    %c0_i32 = arith.constant 0 : i32
    %c0_i32_0 = arith.constant 0 : i32
    return %arg0, %c0_i32 : i32, i32
  }
}

</mosaic_0001>

<sc_bundles>
// kernel: kernel.4.cloned.1.call-start
scs
__scs_entry_jumppad:
0x0: {  	(pc) =	sbr.rel $0x88, $3  }
0x1: {  	(tag) =	ssettag $0x0;
	lr =	simm.s32 $0x1  }
0x2: {  	[smem:$0x3F9D] =	sst lr;
	_ =	strace $0xD0000000  }
0x3: {  	_ = 	snop  }
0x4: {  	_ = 	snop  }
0x5: {  	_ = 	snop  }
0x6: {  	_ = 	snop  }
0x7: {  	_ = 	snop  }
__scs_overlays_trampoline_lowered:
0x8: {  	[smem:$0x3FAC] =	sst s0  }
0x9: {  	[smem:$0x3FAD] =	sst s1  }
0xa: {  	[smem:$0x3FAE] =	sst s2  }
0xb: {  	[smem:$0x3FAF] =	sst s3  }
0xc: {  	[smem:$0x3FB0] =	sst s4  }
0xd: {  	[smem:$0x3FB1] =	sst s5  }
0xe: {  	[smem:$0x3FB2] =	sst s6  }
0xf: {  	[smem:$0x3FB3] =	sst s7  }
0x10: {  	[smem:$0x3FB4] =	sst s8  }
0x11: {  	[smem:$0x3FB5] =	sst s9;
	s0 =	simm.s32 @!p0 $0x0  }
0x12: {  	s1 =	sld [smem:$0x3F9B];
	s0 =	simm.s32 @p0 $0x1  }
0x13: {  	[smem:$0x3FB6] =	sst s0;
	s0 =	simm.s32 @!p1 $0x0  }
0x14: {  	s2 =	sld [smem:$0x3F9A];
	s0 =	simm.s32 @p1 $0x1  }
0x15: {  	[smem:$0x3FB7] =	sst s0;
	s0 =	simm.s32 @!p2 $0x0  }
0x16: {  	s3 =	sld [smem:$0x3FDB];
	s0 =	simm.s32 @p2 $0x1  }
0x17: {  	s4 =	simm.s32 $0x1BF5;
	[smem:$0x3FB9] =	sst s0  }
0x18: {  	s0 =	sld [smem:$0x3F9C];
	_ =	swait.ge [sflag:s4], $0x0  }
0x19: {  	s7 =	sld [smem:$0x3F9D]  }
0x1a: {  	s8 =	sadd.s32 $0xFFFFE003, lr  }
0x1b: {  	s9 =	sadd.s32 $0xFFFFFEF7, lr;
	s5 =	simm.s32 $0xFFFFFFFF;
	p2 =	slt.u32 s8, $0xFFFFF086  }
0x1c: {  	p1 =	slt.u32 s9, $0xF7A;
	s5 =	simm.s32 @!p2 $0x0  }
0x1d: {  	s5 =	simm.s32 @p1 $0x1;
	p0 =	seq.s32 s7, s2  }
0x1e: {  	s7 =	smul.u32 @!p0 $0xF7A, s2;
	p2 =	seq.s32 @!p0 s5, $0x0  }
0x1f: {  	s9 =	smul.u32 $0xF7A, s1;
	s8 =	simm.s32 @!p0 $0x1BF5;
	p2 =	por !p2, p0  }
0x20: {  	[sflag:s8] =	ssyncset.s32 @!p0 $0xFFFFF086;
	s6 =	sadd.s32 @!p0 s3, s7;
	s7 =	simm.s32 @!p0 $0x108  }
0x21: {  	s3 =	sadd.s32 s3, s9;
	s6 =	sadd.s32 @!p0 $0x88, s6;
	s7 =	simm.s32 @p2 $0x1082  }
0x22: {  	[simem:s7], [sflag:s8] =	dma.local @!p0 [hbm:s6], $0xF7A  }
0x23: {  	s9 =	sor.u32 $0xD0000000, s2;
	s6 =	simm.s32 $0x108;
	_ =	swait.ge @!p0 [sflag:s8], $0x0  }
0x24: {  	s3 =	sadd.s32 $0x88, s3;
	s6 =	simm.s32 @!p1 $0x1082;
	[sflag:s4] =	ssyncset.s32 $0xFFFFF086  }
0x25: {  	[simem:s6], [sflag:s4] =	dma.local [hbm:s3], $0xF7A  }
0x26: {  	[smem:$0x3F9D] =	sst s1;
	(tag) =	ssettag s2;
	_ =	strace s9  }
0x27: {  	s1 =	sld [smem:$0x3FAD]  }
0x28: {  	s2 =	sld [smem:$0x3FAE]  }
0x29: {  	s4 =	sld [smem:$0x3FB0]  }
0x2a: {  	p0 =	seq.s32 s5, $0x0;
	s5 =	sld [smem:$0x3FB1]  }
0x2b: {  	s6 =	sld [smem:$0x3FB2]  }
0x2c: {  	s7 =	sld [smem:$0x3FB3]  }
0x2d: {  	s3 =	simm.s32 $0x108;
	s8 =	sld [smem:$0x3FB4]  }
0x2e: {  	s3 =	simm.s32 @!p0 $0x1082;
	s9 =	sld [smem:$0x3FB5]  }
0x2f: {  	lr =	sadd.s32 s0, s3;
	s0 =	sld [smem:$0x3FAC]  }
0x30: {  	s3 =	sld [smem:$0x3FAF]  }
0x31: {  	[smem:$0x3FB8] =	sst s10  }
0x32: {  	s10 =	sld [smem:$0x3FB6];
	_ =	sdelay $0x3  }
0x33: {  	p0 =	seq.s32 s10, $0x1;
	s10 =	sld [smem:$0x3FB8];
	_ =	sdelay $0x3  }
0x34: {  	[smem:$0x3FB8] =	sst s10  }
0x35: {  	s10 =	sld [smem:$0x3FB7];
	_ =	sdelay $0x3  }
0x36: {  	p1 =	seq.s32 s10, $0x1;
	s10 =	sld [smem:$0x3FB8];
	_ =	sdelay $0x3  }
0x37: {  	[smem:$0x3FB8] =	sst s10  }
0x38: {  	s10 =	sld [smem:$0x3FB9]  }
0x39: {  	_ = 	snop;
	(pc) =	sbr.ind lr, $3  }
0x3a: {  	_ = 	snop  }
0x3b: {  	_ = 	snop  }
0x3c: {  	p2 =	seq.s32 s10, $0x1;
	s10 =	sld [smem:$0x3FB8]  }
0x3d: {  	_ =	shalt  }
0x3e: {  	_ =	shalt  }
0x3f: {  	_ =	shalt  }
0x40: {  	_ =	shalt  }
0x41: {  	_ =	shalt  }
0x42: {  	_ =	shalt  }
0x43: {  	_ =	shalt  }
0x44: {  	_ =	shalt  }
0x45: {  	_ =	shalt  }
0x46: {  	_ =	shalt  }
0x47: {  	_ =	shalt  }
0x48: {  	_ =	shalt  }
0x49: {  	_ =	shalt  }
0x4a: {  	_ =	shalt  }
0x4b: {  	_ =	shalt  }
0x4c: {  	_ =	shalt  }
0x4d: {  	_ =	shalt  }
0x4e: {  	_ =	shalt  }
0x4f: {  	_ =	shalt  }
0x50: {  	_ =	shalt  }
0x51: {  	_ =	shalt  }
0x52: {  	_ =	shalt  }
0x53: {  	_ =	shalt  }
0x54: {  	_ =	shalt  }
0x55: {  	_ =	shalt  }
0x56: {  	_ =	shalt  }
0x57: {  	_ =	shalt  }
0x58: {  	_ =	shalt  }
0x59: {  	_ =	shalt  }
0x5a: {  	_ =	shalt  }
0x5b: {  	_ =	shalt  }
0x5c: {  	_ =	shalt  }
0x5d: {  	_ =	shalt  }
0x5e: {  	_ =	shalt  }
0x5f: {  	_ =	shalt  }
0x60: {  	_ =	shalt  }
0x61: {  	_ =	shalt  }
0x62: {  	_ =	shalt  }
0x63: {  	_ =	shalt  }
0x64: {  	_ =	shalt  }
0x65: {  	_ =	shalt  }
0x66: {  	_ =	shalt  }
0x67: {  	_ =	shalt  }
0x68: {  	_ =	shalt  }
0x69: {  	_ =	shalt  }
0x6a: {  	_ =	shalt  }
0x6b: {  	_ =	shalt  }
0x6c: {  	_ =	shalt  }
0x6d: {  	_ =	shalt  }
0x6e: {  	_ =	shalt  }
0x6f: {  	_ =	shalt  }
0x70: {  	_ =	shalt  }
0x71: {  	_ =	shalt  }
0x72: {  	_ =	shalt  }
0x73: {  	_ =	shalt  }
0x74: {  	_ =	shalt  }
0x75: {  	_ =	shalt  }
0x76: {  	_ =	shalt  }
0x77: {  	_ =	shalt  }
0x78: {  	_ =	shalt  }
0x79: {  	_ =	shalt  }
0x7a: {  	_ =	shalt  }
0x7b: {  	_ =	shalt  }
0x7c: {  	_ =	shalt  }
0x7d: {  	_ =	shalt  }
0x7e: {  	_ =	shalt  }
0x7f: {  	_ =	shalt  }
0x80: {  	_ =	shalt  }
0x81: {  	_ =	shalt  }
0x82: {  	_ =	shalt  }
0x83: {  	_ =	shalt  }
0x84: {  	_ =	shalt  }
0x85: {  	_ =	shalt  }
0x86: {  	_ =	shalt  }
0x87: {  	_ =	shalt  }
.Lfunc_end0:
.L_simem_size_0:
called_computation_lowered:
.L_overlay_start_0:
0x88: {  	s2 =	sld [smem:$0x3FD9]  }
0x89: {  	s3 =	sld [smem:$0x3FFE];
	_ =	sdelay $0x1  }
0x8a: {  	s1 =	srdreg.scid  }
0x8b: {  	s0 =	sand.u32 $0x1, s1  }
0x8c: {  	s17 =	sshll.u32 s0, $0xA;
	s2 =	sadd.s32 s3, s2  }
0x8d: {  	s2 =	sadd.s32 s2, s17  }
0x8e: {  	[smem:$0x3FC4] =	sst s2  }
0x8f: {  	_ = 	snop  }
0x90: {  	s2 =	sld [smem:$0x3FC9]  }
0x91: {  	s18 =	sld [smem:$0x3FD0];
	(tm) =	ssettm $0x1  }
0x92: {  	s4 =	sld [smem:$0x3FFB];
	_ =	sdelay $0x3  }
0x93: {  	_ =	strace s4  }
0x94: {  	s4 =	sld [smem:$0x3FFC];
	_ =	sdelay $0x3  }
0x95: {  	_ =	strace s4  }
0x96: {  	s4 =	sld [smem:$0x3FFD];
	_ =	sdelay $0x3  }
0x97: {  	_ =	strace s4  }
0x98: {  	_ =	strace $0x8FFFFFFF  }
0x99: {  	s19 =	sld [smem:$0x3FDB];
	_ =	sdelay $0x1  }
0x9a: {  	s5 =	simm.s32 $_scs_section_size  }
0x9b: {  	s6 =	simm.s32 $_size__tile_overlayer_lowered;
	s7 =	simm.s32 $_tile_overlayer_lowered  }
0x9c: {  	s22 =	simm.s32 $0x1BFF;
	s21 =	sshll.u32 s7, $0x1;
	s4 =	sadd.s32 s5, s19  }
0x9d: {  	s8 =	simm.s32 $0x0;
	s20 =	sshll.u32 s6, $0x1;
	s6 =	sadd.s32 s21, s4  }
0x9e: {  	[timem:s8], [sflag:s22] =	dma.local [hbm:s6], s20  }
0x9f: {  	_ =	swait.ge [sflag:s22], s20  }
0xa0: {  	s5 =	ssub.s32 $0x0, s20;
	[sflag:s22] =	ssyncset.done $0x0  }
0xa1: {  	[sflag:s22] =	ssyncadd.s32 s5;
	_ =	sdelay $0x1  }
0xa2: {  	s23 =	simm.s32 $0x1B8B  }
0xa3: {  	_ =	swait.ge [sflag:s23], $0x1  }
0xa4: {  	[sflag:s23] =	ssyncset.done $0x0  }
0xa5: {  	s25 =	simm.s32 $0x1B8E;
	s24 =	sld [smem:$0x3FFE];
	[sflag:s23] =	ssyncadd.s32 $0xFFFFFFFF  }
0xa6: {  	s26 =	simm.s32 $execute0_lowered;
	[smem:$0x3FD2] =	sst s25  }
0xa7: {  	s6 =	sshll.u32 s26, $0x1;
	_ =	strace $0x80000046;
	[dreg:$0x1] =	wrdreg $0xFFFFFFFF  }
0xa8: {  	s28 =	simm.s32 $_size_execute0_lowered;
	s4 =	sadd.s32 s4, s6;
	[dreg:$0x0] =	wrdreg $0x0  }
0xa9: {  	s6 =	sshll.u32 s28, $0x1;
	[dreg:$0x2] =	wrdreg s4  }
0xaa: {  	[dreg:$0x3] =	wrdreg s6  }
0xab: {  	[dreg:$0x4] =	wrdreg $0xC0  }
0xac: {  	_ =	task [dreg:s8], $0x5FFFF  }
0xad: {  	[dreg:$0x1] =	wrdreg $0xFFFFFFFF  }
0xae: {  	[dreg:$0x0] =	wrdreg $0x60  }
0xaf: {  	[dreg:$0x2] =	wrdreg s2  }
0xb0: {  	[dreg:$0x3] =	wrdreg s24  }
0xb1: {  	[dreg:$0x4] =	wrdreg s18  }
0xb2: {  	[dreg:$0x5] =	wrdreg $0x9  }
0xb3: {  	_ =	task.clear_ibuf [dreg:s8], $0x6FFFF;
	_ =	strace $0x90000046  }
0xb4: {  	s29 =	simm.s32 $0x9;
	_ =	strace $0x80000048  }
0xb5: {  	_ =	swait.ge [sflag:s29], $0x1  }
0xb6: {  	[sflag:s29] =	ssyncadd.s32 $0xFFFFFFFF  }
0xb7: {  	_ =	strace $0x90000048  }
0xb8: {  	_ =	sfence  }
0xb9: {  	s30 =	sld [smem:$0x0];
	_ =	sdelay $0x2  }
0xba: {  	s31 =	sshll.u32 s1, $0xD;
	s1 =	sshrl.u32 s1, $0x2  }
0xbb: {  	s3 =	sand.u32 $0x4000, s31;
	s1 =	sadd.s32 s1, s30  }
0xbc: {  	s0 =	sor.u32 s3, s0;
	s1 =	sshll.u32 s1, $0x11  }
0xbd: {  	s0 =	sor.u32 s1, s0  }
0xbe: {  	s0 =	sadd.s32 $0x8F2B, s0  }
0xbf: {  	[sflag:s0] =	ssyncadd.remote.s32 $0x1  }
0xc0: {  	_ =	sfence.sel $0xFFFF  }
0xc1: {  	[dreg:$0x0] =	wrdreg $0xFFFFFFFF;
	(pc) =	sbr.abs _section_cstart, $3  }
0xc2: {  	[dreg:$0x1] =	wrdreg $0xFFFFFFFF  }
0xc3: {  	_ =	task.clear_ibuf [dreg:s8], $0x2FFFF;
	_ =	strace $0x9FFFFFFF  }
0xc4: {  	(tm) =	ssettm $0x7FFFFFFF  }
0xc5: {  	_ =	shalt  }
tec
execute0_lowered:
.L_overlay_start_1:
0x0: {  	(tag) =	ssettag $0x1  }
0x1: {  	s0 =	rddreg [dreg:$0x0]  }
0x2: {  	s1 =	rddreg [dreg:$0x1]  }
0x3: {  	s2 =	rddreg [dreg:$0x2]  }
0x4: {  	s3 =	srdreg.scid;
	s5 =	stileid.u32;
	s30 =	simm.s32 $0xD800  }
0x5: {  	s31 =	simm.s32 $0xE000;
	s9 =	simm.s32 $0x10800;
	s10 =	simm.s32 $0x11000  }
0x6: {  	s11 =	simm.s32 $0x11800;
	s12 =	simm.s32 $0x12000;
	s13 =	simm.s32 $0x12800  }
0x7: {  	s14 =	simm.s32 $0x13000;
	s15 =	simm.s32 $0x13800;
	s16 =	simm.s32 $0x1  }
0x8: {  	s17 =	simm.s32 $0x2;
	s20 =	simm.s32 $0x0;
	s4 =	sand.u32 $0x1, s3  }
0x9: {  	s3 =	simm.s32 $0x0;
	s5 =	sshll.u32 s5, $0x8;
	s6 =	sshll.u32 s4, $0x7  }
0xa: {  	[smem:$0x7FF] =	sst s3;
	s7 =	ssub.s32 $0x2, s4;
	s4 =	sor.u32 s6, s5  }
.Ltmp0:
0xb: {  	_ =	strace $0x80000047;
	s28 =	sshrl.u32 s7, $0x1;
	(pc) =	sbr.rel .LBB2_1-.Ltmp0, $4  }
0xc: {  	s5 =	sadd.s32 $0x600, s1;
	s8 =	sshll.u32 s4, $0x4;
	s6 =	ssub.s32 s7, s28  }
0xd: {  	v2 =	vlaneseq.u32;
	s7 =	sadd.s32 $0x700, s1;
	s1 =	simm.s32 $0xF000;
	s0 =	sadd.s32 s0, s8  }
0xe: {  	vm0 =	vmmov $0xffff;
	v1 =	vshrl.u32 v2, $0x3;
	s29 =	smax.u32 s6, $0x1;
	s6 =	simm.s32 $0xF800;
	[dreg:$0x4] =	wrdreg s0  }
0xf: {  	v0 =	vand.u32 $0x7, v2;
	v2 =	vor.u32 $0x8, v2;
	v1 =	vmul.u32 $0x8, v1;
	s8 =	simm.s32 $0x10000;
	[dreg:$0x5] =	wrdreg s29;
	s0 =	simm.s32 $0xE800  }
.LBB2_11:
0x10: {  	s19 =	simm.s32 $0x3  }
0x11: {  	_ =	swait.ge [sflag:s19], $0x380  }
0x12: {  	[sflag:s19] =	ssyncset.done $0x0  }
0x13: {  	[sflag:s19] =	ssyncadd.s32 $0xFFFFFC80  }
0x14: {  	_ =	swait.ge [sflag:s19], $0x380  }
0x15: {  	s20 =	rddreg [dreg:$0x6]  }
0x16: {  	s18 =	rddreg [dreg:$0x5];
	s20 =	sadd.s32 $0x1, s20  }
0x17: {  	p0 =	sne.s32 s20, s18  }
.Ltmp1:
0x18: {  	_ = 	snop;
	(pc) =	sbr.rel @!p0 .LBB2_12-.Ltmp1, $3  }
0x19: {  	_ =	sdelay $0x1  }
0x1a: {  	[sflag:s19] =	ssyncset.done $0x0  }
0x1b: {  	[sflag:s19] =	ssyncadd.s32 $0xFFFFFC80  }
.LBB2_1:
0x1c: {  	[dreg:$0x6] =	wrdreg s20  }
0x1d: {  	s18 =	rddreg [dreg:$0x4];
	s19 =	simm.s32 $0x4  }
0x1e: {  	[tilespmem:s3], [sflag:$0x4] =	stream.linear.gather [hbm4b:s18+s3], $0x4000, $0x38;
	[tilespmem:$0x14F00] =	vst v63  }
0x1f: {  	_ =	swait.ge [sflag:s19], $0x4000  }
0x20: {  	[sflag:s19] =	ssyncset.done $0x0  }
0x21: {  	[sflag:s19] =	ssyncadd.s32 $0xFFFFC000  }
0x22: {  	v3 =	vld [tilespmem:$0x0];
	_ =	sdelay $0x4  }
0x23: {  	v4 =	vshll.u32 v3, $0x2  }
0x24: {  	v3 =	vand.u32 $0x7, v3;
	v4 =	vand.u32 $0xFFFFFFE0, v4  }
0x25: {  	v3 =	vor.u32 v3, v4  }
0x26: {  	v4 =	vperm.xlane v3, v0;
	_ =	sdelay $0x1  }
0x27: {  	v4 =	vadd.s32 v1, v4;
	_ =	sdelay $0x1  }
0x28: {  	v3 =	vperm.xlane v3, v2;
	_ =	sdelay $0x1  }
0x29: {  	s20 =	simm.s32 $0x4000;
	v3 =	vadd.s32 v1, v3  }
0x2a: {  	[tilespmem:s20], [sflag:$0x1] =	stream.indirect_vreg.gather [hbm4b:s5+s3], $0x80, v4, vm0, $0xb8;
	[tilespmem:$0x14F00] =	vst v63  }
0x2b: {  	s21 =	simm.s32 $0x4800  }
0x2c: {  	[tilespmem:s21], [sflag:$0x1] =	stream.indirect_vreg.gather [hbm4b:s7+s3], $0x80, v4, vm0, $0xb8;
	[tilespmem:$0x14F00] =	vst v63  }
0x2d: {  	s22 =	simm.s32 $0x5000  }
0x2e: {  	[tilespmem:s22], [sflag:$0x1] =	stream.indirect_vreg.gather [hbm4b:s5+s3], $0x80, v3, vm0, $0xb8;
	[tilespmem:$0x14F00] =	vst v63  }
0x2f: {  	s23 =	simm.s32 $0x5800  }
0x30: {  	[tilespmem:s23], [sflag:$0x1] =	stream.indirect_vreg.gather [hbm4b:s7+s3], $0x80, v3, vm0, $0xb8;
	[tilespmem:$0x14F00] =	vst v63  }
0x31: {  	v3 =	vld [tilespmem:$0x10];
	_ =	sdelay $0x4  }
0x32: {  	v57 =	vshll.u32 v3, $0x2  }
0x33: {  	v3 =	vand.u32 $0x7, v3;
	v4 =	vand.u32 $0xFFFFFFE0, v57  }
0x34: {  	v3 =	vor.u32 v3, v4  }
0x35: {  	v4 =	vperm.xlane v3, v0;
	_ =	sdelay $0x1  }
0x36: {  	v4 =	vadd.s32 v1, v4;
	_ =	sdelay $0x1  }
0x37: {  	v3 =	vperm.xlane v3, v2;
	_ =	sdelay $0x1  }
0x38: {  	s24 =	simm.s32 $0x6000;
	v3 =	vadd.s32 v1, v3  }
0x39: {  	[tilespmem:s24], [sflag:$0x1] =	stream.indirect_vreg.gather [hbm4b:s5+s3], $0x80, v4, vm0, $0xb8;
	[tilespmem:$0x14F00] =	vst v63  }
0x3a: {  	s25 =	simm.s32 $0x6800  }
0x3b: {  	[tilespmem:s25], [sflag:$0x1] =	stream.indirect_vreg.gather [hbm4b:s7+s3], $0x80, v4, vm0, $0xb8;
	[tilespmem:$0x14F00] =	vst v63  }
0x3c: {  	s26 =	simm.s32 $0x7000  }
0x3d: {  	[tilespmem:s26], [sflag:$0x1] =	stream.indirect_vreg.gather [hbm4b:s5+s3], $0x80, v3, vm0, $0xb8;
	[tilespmem:$0x14F00] =	vst v63  }
0x3e: {  	s28 =	simm.s32 $0x7800  }
0x3f: {  	[tilespmem:s28], [sflag:$0x1] =	stream.indirect_vreg.gather [hbm4b:s7+s3], $0x80, v3, vm0, $0xb8;
	[tilespmem:$0x14F00] =	vst v63  }
0x40: {  	v3 =	vld [tilespmem:$0x20];
	_ =	sdelay $0x4  }
0x41: {  	v58 =	vshll.u32 v3, $0x2  }
0x42: {  	v3 =	vand.u32 $0x7, v3;
	v4 =	vand.u32 $0xFFFFFFE0, v58  }
0x43: {  	v3 =	vor.u32 v3, v4  }
0x44: {  	v4 =	vperm.xlane v3, v0;
	_ =	sdelay $0x1  }
0x45: {  	v4 =	vadd.s32 v1, v4;
	_ =	sdelay $0x1  }
0x46: {  	v3 =	vperm.xlane v3, v2;
	_ =	sdelay $0x1  }
0x47: {  	s29 =	simm.s32 $0x8000;
	v3 =	vadd.s32 v1, v3  }
0x48: {  	[tilespmem:s29], [sflag:$0x1] =	stream.indirect_vreg.gather [hbm4b:s5+s3], $0x80, v4, vm0, $0xb8;
	[tilespmem:$0x14F00] =	vst v63  }
0x49: {  	s19 =	simm.s32 $0x8800  }
0x4a: {  	[tilespmem:s19], [sflag:$0x1] =	stream.indirect_vreg.gather [hbm4b:s7+s3], $0x80, v4, vm0, $0xb8;
	[tilespmem:$0x14F00] =	vst v63  }
0x4b: {  	s20 =	simm.s32 $0x9000  }
0x4c: {  	[tilespmem:s20], [sflag:$0x1] =	stream.indirect_vreg.gather [hbm4b:s5+s3], $0x80, v3, vm0, $0xb8;
	[tilespmem:$0x14F00] =	vst v63  }
0x4d: {  	s21 =	simm.s32 $0x9800  }
0x4e: {  	[tilespmem:s21], [sflag:$0x1] =	stream.indirect_vreg.gather [hbm4b:s7+s3], $0x80, v3, vm0, $0xb8;
	[tilespmem:$0x14F00] =	vst v63  }
0x4f: {  	v3 =	vld [tilespmem:$0x30];
	_ =	sdelay $0x4  }
0x50: {  	v59 =	vshll.u32 v3, $0x2  }
0x51: {  	v3 =	vand.u32 $0x7, v3;
	v4 =	vand.u32 $0xFFFFFFE0, v59  }
0x52: {  	v3 =	vor.u32 v3, v4  }
0x53: {  	v4 =	vperm.xlane v3, v0;
	_ =	sdelay $0x1  }
0x54: {  	v4 =	vadd.s32 v1, v4;
	_ =	sdelay $0x1  }
0x55: {  	v3 =	vperm.xlane v3, v2;
	_ =	sdelay $0x1  }
0x56: {  	s22 =	simm.s32 $0xA000;
	v3 =	vadd.s32 v1, v3  }
0x57: {  	[tilespmem:s22], [sflag:$0x1] =	stream.indirect_vreg.gather [hbm4b:s5+s3], $0x80, v4, vm0, $0xb8;
	[tilespmem:$0x14F00] =	vst v63  }
0x58: {  	s23 =	simm.s32 $0xA800  }
0x59: {  	[tilespmem:s23], [sflag:$0x1] =	stream.indirect_vreg.gather [hbm4b:s7+s3], $0x80, v4, vm0, $0xb8;
	[tilespmem:$0x14F00] =	vst v63  }
0x5a: {  	s24 =	simm.s32 $0xB000  }
0x5b: {  	[tilespmem:s24], [sflag:$0x1] =	stream.indirect_vreg.gather [hbm4b:s5+s3], $0x80, v3, vm0, $0xb8;
	[tilespmem:$0x14F00] =	vst v63  }
0x5c: {  	s25 =	simm.s32 $0xB800  }
0x5d: {  	[tilespmem:s25], [sflag:$0x1] =	stream.indirect_vreg.gather [hbm4b:s7+s3], $0x80, v3, vm0, $0xb8;
	[tilespmem:$0x14F00] =	vst v63  }
0x5e: {  	v3 =	vld [tilespmem:$0x40];
	_ =	sdelay $0x4  }
0x5f: {  	v60 =	vshll.u32 v3, $0x2  }
0x60: {  	v3 =	vand.u32 $0x7, v3;
	v4 =	vand.u32 $0xFFFFFFE0, v60  }
0x61: {  	v3 =	vor.u32 v3, v4  }
0x62: {  	v4 =	vperm.xlane v3, v0;
	_ =	sdelay $0x1  }
0x63: {  	v4 =	vadd.s32 v1, v4;
	_ =	sdelay $0x1  }
0x64: {  	v3 =	vperm.xlane v3, v2;
	_ =	sdelay $0x1  }
0x65: {  	s26 =	simm.s32 $0xC000;
	v3 =	vadd.s32 v1, v3  }
0x66: {  	[tilespmem:s26], [sflag:$0x2] =	stream.indirect_vreg.gather [hbm4b:s5+s3], $0x80, v4, vm0, $0xb8;
	[tilespmem:$0x14F00] =	vst v63  }
0x67: {  	s28 =	simm.s32 $0xC800  }
0x68: {  	[tilespmem:s28], [sflag:$0x2] =	stream.indirect_vreg.gather [hbm4b:s7+s3], $0x80, v4, vm0, $0xb8;
	[tilespmem:$0x14F00] =	vst v63  }
0x69: {  	s29 =	simm.s32 $0xD000  }
0x6a: {  	[tilespmem:s29], [sflag:$0x2] =	stream.indirect_vreg.gather [hbm4b:s5+s3], $0x80, v3, vm0, $0xb8;
	[tilespmem:$0x14F00] =	vst v63  }
0x6b: {  	_ = 	snop  }
0x6c: {  	[tilespmem:s30], [sflag:$0x2] =	stream.indirect_vreg.gather [hbm4b:s7+s3], $0x80, v3, vm0, $0xb8;
	[tilespmem:$0x14F00] =	vst v63  }
0x6d: {  	v3 =	vld [tilespmem:$0x50];
	_ =	sdelay $0x4  }
0x6e: {  	v61 =	vshll.u32 v3, $0x2  }
0x6f: {  	v3 =	vand.u32 $0x7, v3;
	v4 =	vand.u32 $0xFFFFFFE0, v61  }
0x70: {  	v3 =	vor.u32 v3, v4  }
0x71: {  	v4 =	vperm.xlane v3, v0;
	_ =	sdelay $0x1  }
0x72: {  	v4 =	vadd.s32 v1, v4;
	_ =	sdelay $0x1  }
0x73: {  	v3 =	vperm.xlane v3, v2;
	_ =	sdelay $0x1  }
0x74: {  	v3 =	vadd.s32 v1, v3  }
0x75: {  	[tilespmem:s31], [sflag:$0x2] =	stream.indirect_vreg.gather [hbm4b:s5+s3], $0x80, v4, vm0, $0xb8;
	[tilespmem:$0x14F00] =	vst v63  }
0x76: {  	_ = 	snop  }
0x77: {  	[tilespmem:s0], [sflag:$0x2] =	stream.indirect_vreg.gather [hbm4b:s7+s3], $0x80, v4, vm0, $0xb8;
	[tilespmem:$0x14F00] =	vst v63  }
0x78: {  	_ = 	snop  }
0x79: {  	[tilespmem:s1], [sflag:$0x2] =	stream.indirect_vreg.gather [hbm4b:s5+s3], $0x80, v3, vm0, $0xb8;
	[tilespmem:$0x14F00] =	vst v63  }
0x7a: {  	_ = 	snop  }
0x7b: {  	[tilespmem:s6], [sflag:$0x2] =	stream.indirect_vreg.gather [hbm4b:s7+s3], $0x80, v3, vm0, $0xb8;
	[tilespmem:$0x14F00] =	vst v63  }
0x7c: {  	v3 =	vld [tilespmem:$0x60];
	_ =	sdelay $0x4  }
0x7d: {  	v62 =	vshll.u32 v3, $0x2  }
0x7e: {  	v3 =	vand.u32 $0x7, v3;
	v4 =	vand.u32 $0xFFFFFFE0, v62  }
0x7f: {  	v3 =	vor.u32 v3, v4  }
0x80: {  	v4 =	vperm.xlane v3, v0;
	_ =	sdelay $0x1  }
0x81: {  	v4 =	vadd.s32 v1, v4;
	_ =	sdelay $0x1  }
0x82: {  	v3 =	vperm.xlane v3, v2;
	_ =	sdelay $0x1  }
0x83: {  	v3 =	vadd.s32 v1, v3  }
0x84: {  	[tilespmem:s8], [sflag:$0x2] =	stream.indirect_vreg.gather [hbm4b:s5+s3], $0x80, v4, vm0, $0xb8;
	[tilespmem:$0x14F00] =	vst v63  }
0x85: {  	_ = 	snop  }
0x86: {  	[tilespmem:s9], [sflag:$0x2] =	stream.indirect_vreg.gather [hbm4b:s7+s3], $0x80, v4, vm0, $0xb8;
	[tilespmem:$0x14F00] =	vst v63  }
0x87: {  	_ = 	snop  }
0x88: {  	[tilespmem:s10], [sflag:$0x2] =	stream.indirect_vreg.gather [hbm4b:s5+s3], $0x80, v3, vm0, $0xb8;
	[tilespmem:$0x14F00] =	vst v63  }
0x89: {  	_ = 	snop  }
0x8a: {  	[tilespmem:s11], [sflag:$0x2] =	stream.indirect_vreg.gather [hbm4b:s7+s3], $0x80, v3, vm0, $0xb8;
	[tilespmem:$0x14F00] =	vst v63  }
0x8b: {  	v3 =	vld [tilespmem:$0x70];
	_ =	sdelay $0x4  }
0x8c: {  	v63 =	vshll.u32 v3, $0x2  }
0x8d: {  	v3 =	vand.u32 $0x7, v3;
	v4 =	vand.u32 $0xFFFFFFE0, v63  }
0x8e: {  	v3 =	vor.u32 v3, v4  }
0x8f: {  	v4 =	vperm.xlane v3, v0;
	_ =	sdelay $0x1  }
0x90: {  	v4 =	vadd.s32 v1, v4;
	_ =	sdelay $0x2  }
0x91: {  	v3 =	vperm.xlane v3, v2;
	_ =	sdelay $0x1  }
0x92: {  	v3 =	vadd.s32 v1, v3;
	[tilespmem:s12], [sflag:$0x2] =	stream.indirect_vreg.gather [hbm4b:s5+s3], $0x80, v4, vm0, $0xb8;
	[tilespmem:$0x14F00] =	vst v63  }
0x93: {  	_ = 	snop  }
0x94: {  	[tilespmem:s13], [sflag:$0x2] =	stream.indirect_vreg.gather [hbm4b:s7+s3], $0x80, v4, vm0, $0xb8;
	[tilespmem:$0x14F00] =	vst v63  }
.Ltmp2:
0x95: {  	_ = 	snop;
	(pc) =	sbr.rel .LBB2_2-.Ltmp2, $4  }
0x96: {  	_ = 	snop  }
0x97: {  	[tilespmem:s14], [sflag:$0x2] =	stream.indirect_vreg.gather [hbm4b:s5+s3], $0x80, v3, vm0, $0xb8;
	[tilespmem:$0x14F00] =	vst v63  }
0x98: {  	s18 =	simm.s32 $0x0  }
0x99: {  	[tilespmem:s15], [sflag:$0x2] =	stream.indirect_vreg.gather [hbm4b:s7+s3], $0x80, v3, vm0, $0xb8;
	[tilespmem:$0x14F00] =	vst v63  }
.LBB2_10:
0x9a: {  	s19 =	sor.u32 s4, s18  }
0x9b: {  	s19 =	sshrl.u32 s19, $0x3  }
0x9c: {  	s19 =	smul.u32 $0x1C00, s19  }
0x9d: {  	s21 =	sand.u32 $0x380, s21  }
0x9e: {  	s19 =	sor.u32 s21, s19  }
0x9f: {  	s19 =	sshrl.u32 s19, $0x3  }
0xa0: {  	s19 =	sadd.s32 s2, s19  }
0xa1: {  	[hbm4b:s19+s3] =	stream.linear.scatter [tilespmem:s22], [sflag:$0x3], $0x80, $0x38;
	[tilespmem:$0x14F00] =	vst v63  }
0xa2: {  	s25 =	sor.u32 $0x14100, s20;
	s26 =	sadd.s32 $0x80, s19  }
0xa3: {  	[hbm4b:s26+s3] =	stream.linear.scatter [tilespmem:s25], [sflag:$0x3], $0x80, $0x38;
	[tilespmem:$0x14F00] =	vst v63  }
0xa4: {  	s28 =	sor.u32 $0x14200, s20;
	s29 =	sadd.s32 $0x100, s19  }
0xa5: {  	[hbm4b:s29+s3] =	stream.linear.scatter [tilespmem:s28], [sflag:$0x3], $0x80, $0x38;
	[tilespmem:$0x14F00] =	vst v63  }
0xa6: {  	s18 =	sadd.s32 $0x1, s18;
	s22 =	sor.u32 $0x14300, s20;
	s23 =	sadd.s32 $0x180, s19  }
0xa7: {  	[hbm4b:s23+s3] =	stream.linear.scatter [tilespmem:s22], [sflag:$0x3], $0x80, $0x38;
	[tilespmem:$0x14F00] =	vst v63  }
0xa8: {  	s24 =	sor.u32 $0x14400, s20;
	p0 =	sne.s32 s18, $0x80;
	s25 =	sadd.s32 $0x200, s19  }
0xa9: {  	[hbm4b:s25+s3] =	stream.linear.scatter [tilespmem:s24], [sflag:$0x3], $0x80, $0x38;
	[tilespmem:$0x14F00] =	vst v63  }
.Ltmp3:
0xaa: {  	_ = 	snop;
	(pc) =	sbr.rel @!p0 .LBB2_11-.Ltmp3, $4  }
0xab: {  	s26 =	sor.u32 $0x14500, s20;
	s28 =	sadd.s32 $0x280, s19  }
0xac: {  	[hbm4b:s28+s3] =	stream.linear.scatter [tilespmem:s26], [sflag:$0x3], $0x80, $0x38;
	[tilespmem:$0x14F00] =	vst v63  }
0xad: {  	s29 =	sor.u32 $0x14600, s20;
	s19 =	sadd.s32 $0x300, s19  }
0xae: {  	[hbm4b:s19+s3] =	stream.linear.scatter [tilespmem:s29], [sflag:$0x3], $0x80, $0x38;
	[tilespmem:$0x14F00] =	vst v63  }
.LBB2_2:
0xaf: {  	p0 =	slt.u32 s18, $0x2  }
0xb0: {  	s19 =	simm.s32 @!p0 $0x3  }
0xb1: {  	_ =	swait.ge @!p0 [sflag:s19], $0x380  }
0xb2: {  	[sflag:s19] =	ssyncset.done @!p0 $0x0  }
0xb3: {  	[sflag:s19] =	ssyncadd.s32 @!p0 $0xFFFFFC80  }
0xb4: {  	s29 =	sshll.u32 s18, $0xA;
	_ =	swait.ge [sflag:s16], $0x8000  }
0xb5: {  	s20 =	simm.s32 $0x0;
	s19 =	sand.u32 $0x400, s29;
	[sflag:s16] =	ssyncset.done $0x0  }
0xb6: {  	s21 =	simm.s32 $0x0;
	s19 =	sadd.s32 $0x14700, s19;
	[sflag:s16] =	ssyncadd.s32 $0xFFFF8000  }
.LBB2_3:
0xb7: {  	s23 =	sshll.u32 s21, $0x7  }
0xb8: {  	s22 =	sand.u32 $0x70, s20;
	s23 =	sand.u32 $0x3FFFFC00, s23  }
0xb9: {  	s23 =	sor.u32 s22, s23  }
0xba: {  	v3 =	vld [tilespmem:s23+$0x4000]  }
0xbb: {  	v4 =	vld [tilespmem:s23+$0x4080]  }
0xbc: {  	v5 =	vld [tilespmem:s23+$0x4100]  }
0xbd: {  	v6 =	vld [tilespmem:s23+$0x4180]  }
0xbe: {  	v7 =	vld [tilespmem:s23+$0x4200]  }
0xbf: {  	v9 =	vld [tilespmem:s23+$0x4280]  }
0xc0: {  	v11 =	vld [tilespmem:s23+$0x4300];
	v8 =	vshll.u32 v3, $0x10;
	v10 =	vshll.u32 v4, $0x10  }
0xc1: {  	v13 =	vld [tilespmem:s23+$0x4380];
	v3 =	vadd.f32 $0.0e+00, v3;
	v12 =	vshll.u32 v5, $0x10;
	v4 =	vadd.f32 $0.0e+00, v4  }
0xc2: {  	v15 =	vld [tilespmem:s23+$0x5000];
	v14 =	vshll.u32 v6, $0x10;
	v5 =	vadd.f32 $0.0e+00, v5;
	v6 =	vadd.f32 $0.0e+00, v6  }
0xc3: {  	v17 =	vld [tilespmem:s23+$0x5080];
	v8 =	vadd.f32 $0.0e+00, v8;
	v10 =	vadd.f32 $0.0e+00, v10  }
0xc4: {  	v18 =	vld [tilespmem:s23+$0x5100];
	v16 =	vshll.u32 v7, $0x10;
	v12 =	vadd.f32 $0.0e+00, v12;
	v14 =	vadd.f32 $0.0e+00, v14  }
0xc5: {  	v37 =	vld [tilespmem:s23+$0x5180];
	v34 =	vshll.u32 v9, $0x10;
	v3 =	vadd.f32 v7, v3;
	v4 =	vadd.f32 v9, v4  }
0xc6: {  	v40 =	vld [tilespmem:s23+$0x5200];
	v36 =	vshll.u32 v11, $0x10;
	v5 =	vadd.f32 v11, v5;
	v6 =	vadd.f32 v13, v6  }
0xc7: {  	v42 =	vld [tilespmem:s23+$0x5280];
	v39 =	vshll.u32 v13, $0x10;
	v8 =	vadd.f32 v16, v8;
	v35 =	vadd.f32 v34, v10  }
0xc8: {  	v44 =	vld [tilespmem:s23+$0x5300];
	v41 =	vshll.u32 v15, $0x10;
	v38 =	vadd.f32 v36, v12;
	v10 =	vadd.f32 v39, v14  }
0xc9: {  	v46 =	vld [tilespmem:s23+$0x5380];
	v43 =	vshll.u32 v17, $0x10;
	v3 =	vadd.f32 v15, v3;
	v4 =	vadd.f32 v17, v4  }
0xca: {  	v48 =	vld [tilespmem:s23+$0x6000];
	v45 =	vshll.u32 v18, $0x10;
	v5 =	vadd.f32 v18, v5;
	v6 =	vadd.f32 v37, v6  }
0xcb: {  	v50 =	vld [tilespmem:s23+$0x6080];
	v47 =	vshll.u32 v37, $0x10;
	v8 =	vadd.f32 v41, v8;
	v7 =	vadd.f32 v43, v35  }
0xcc: {  	v52 =	vld [tilespmem:s23+$0x6100];
	v49 =	vshll.u32 v40, $0x10;
	v9 =	vadd.f32 v45, v38;
	v10 =	vadd.f32 v47, v10  }
0xcd: {  	v54 =	vld [tilespmem:s23+$0x6180];
	v51 =	vshll.u32 v42, $0x10;
	v3 =	vadd.f32 v40, v3;
	v4 =	vadd.f32 v42, v4  }
0xce: {  	v56 =	vld [tilespmem:s23+$0x6200];
	v53 =	vshll.u32 v44, $0x10;
	v5 =	vadd.f32 v44, v5;
	v6 =	vadd.f32 v46, v6  }
0xcf: {  	v58 =	vld [tilespmem:s23+$0x6280];
	v55 =	vshll.u32 v46, $0x10;
	v8 =	vadd.f32 v49, v8;
	v7 =	vadd.f32 v51, v7  }
0xd0: {  	v60 =	vld [tilespmem:s23+$0x6300];
	v57 =	vshll.u32 v48, $0x10;
	v9 =	vadd.f32 v53, v9;
	v10 =	vadd.f32 v55, v10  }
0xd1: {  	v62 =	vld [tilespmem:s23+$0x6380];
	v59 =	vshll.u32 v50, $0x10;
	v3 =	vadd.f32 v48, v3;
	v4 =	vadd.f32 v50, v4  }
0xd2: {  	v21 =	vld [tilespmem:s23+$0x7000];
	v61 =	vshll.u32 v52, $0x10;
	v5 =	vadd.f32 v52, v5;
	v6 =	vadd.f32 v54, v6  }
0xd3: {  	v23 =	vld [tilespmem:s23+$0x7080];
	v63 =	vshll.u32 v54, $0x10;
	v8 =	vadd.f32 v57, v8;
	v7 =	vadd.f32 v59, v7  }
0xd4: {  	v25 =	vld [tilespmem:s23+$0x7100];
	v22 =	vshll.u32 v56, $0x10;
	v9 =	vadd.f32 v61, v9;
	v10 =	vadd.f32 v63, v10  }
0xd5: {  	v27 =	vld [tilespmem:s23+$0x7180];
	v24 =	vshll.u32 v58, $0x10;
	v3 =	vadd.f32 v56, v3;
	v4 =	vadd.f32 v58, v4  }
0xd6: {  	v29 =	vld [tilespmem:s23+$0x7200];
	v26 =	vshll.u32 v60, $0x10;
	v5 =	vadd.f32 v60, v5;
	v6 =	vadd.f32 v62, v6  }
0xd7: {  	v31 =	vld [tilespmem:s23+$0x7280];
	v28 =	vshll.u32 v62, $0x10;
	v8 =	vadd.f32 v22, v8;
	v7 =	vadd.f32 v24, v7  }
0xd8: {  	v33 =	vld [tilespmem:s23+$0x7300];
	v30 =	vshll.u32 v21, $0x10;
	v9 =	vadd.f32 v26, v9;
	v10 =	vadd.f32 v28, v10  }
0xd9: {  	v32 =	vshll.u32 v23, $0x10;
	v35 =	vld [tilespmem:s23+$0x7380];
	v3 =	vadd.f32 v21, v3;
	v4 =	vadd.f32 v23, v4  }
0xda: {  	v34 =	vshll.u32 v25, $0x10;
	v39 =	vld [tilespmem:s23+$0x8080];
	v5 =	vadd.f32 v25, v5;
	v6 =	vadd.f32 v27, v6  }
0xdb: {  	v36 =	vshll.u32 v27, $0x10;
	v37 =	vld [tilespmem:s23+$0x8000];
	v8 =	vadd.f32 v30, v8;
	v7 =	vadd.f32 v32, v7  }
0xdc: {  	v38 =	vshll.u32 v29, $0x10;
	v41 =	vld [tilespmem:s23+$0x8100];
	v9 =	vadd.f32 v34, v9;
	v10 =	vadd.f32 v36, v10  }
0xdd: {  	v43 =	vld [tilespmem:s23+$0x8180];
	v40 =	vshll.u32 v31, $0x10;
	v3 =	vadd.f32 v29, v3;
	v4 =	vadd.f32 v31, v4  }
0xde: {  	v45 =	vld [tilespmem:s23+$0x8200];
	v42 =	vshll.u32 v33, $0x10;
	v5 =	vadd.f32 v33, v5;
	v6 =	vadd.f32 v35, v6  }
0xdf: {  	v47 =	vld [tilespmem:s23+$0x8280];
	v44 =	vshll.u32 v35, $0x10;
	v8 =	vadd.f32 v38, v8;
	v7 =	vadd.f32 v40, v7  }
0xe0: {  	v49 =	vld [tilespmem:s23+$0x8300];
	v48 =	vshll.u32 v39, $0x10;
	v9 =	vadd.f32 v42, v9;
	v10 =	vadd.f32 v44, v10  }
0xe1: {  	v51 =	vld [tilespmem:s23+$0x8380];
	v46 =	vshll.u32 v37, $0x10;
	v3 =	vadd.f32 v37, v3;
	v4 =	vadd.f32 v39, v4  }
0xe2: {  	v53 =	vld [tilespmem:s23+$0x9000];
	v50 =	vshll.u32 v41, $0x10;
	v5 =	vadd.f32 v41, v5;
	v6 =	vadd.f32 v43, v6  }
0xe3: {  	v55 =	vld [tilespmem:s23+$0x9080];
	v52 =	vshll.u32 v43, $0x10;
	v8 =	vadd.f32 v46, v8;
	v7 =	vadd.f32 v48, v7  }
0xe4: {  	v57 =	vld [tilespmem:s23+$0x9100];
	v54 =	vshll.u32 v45, $0x10;
	v9 =	vadd.f32 v50, v9;
	v10 =	vadd.f32 v52, v10  }
0xe5: {  	v59 =	vld [tilespmem:s23+$0x9180];
	v56 =	vshll.u32 v47, $0x10;
	v3 =	vadd.f32 v45, v3;
	v4 =	vadd.f32 v47, v4  }
0xe6: {  	v61 =	vld [tilespmem:s23+$0x9200];
	v58 =	vshll.u32 v49, $0x10;
	v5 =	vadd.f32 v49, v5;
	v6 =	vadd.f32 v51, v6  }
0xe7: {  	v63 =	vld [tilespmem:s23+$0x9280];
	v60 =	vshll.u32 v51, $0x10;
	v8 =	vadd.f32 v54, v8;
	v7 =	vadd.f32 v56, v7  }
0xe8: {  	v62 =	vshll.u32 v53, $0x10;
	v21 =	vld [tilespmem:s23+$0x9300];
	v9 =	vadd.f32 v58, v9;
	v10 =	vadd.f32 v60, v10  }
0xe9: {  	v20 =	vshll.u32 v55, $0x10;
	v23 =	vld [tilespmem:s23+$0x9380];
	v3 =	vadd.f32 v53, v3;
	v4 =	vadd.f32 v55, v4  }
0xea: {  	v25 =	vld [tilespmem:s23+$0xA000];
	v22 =	vshll.u32 v57, $0x10;
	v5 =	vadd.f32 v57, v5;
	v6 =	vadd.f32 v59, v6  }
0xeb: {  	v27 =	vld [tilespmem:s23+$0xA080];
	v24 =	vshll.u32 v59, $0x10;
	v8 =	vadd.f32 v62, v8;
	v7 =	vadd.f32 v20, v7  }
0xec: {  	v26 =	vshll.u32 v61, $0x10;
	v29 =	vld [tilespmem:s23+$0xA100];
	v9 =	vadd.f32 v22, v9;
	v10 =	vadd.f32 v24, v10  }
0xed: {  	v28 =	vshll.u32 v63, $0x10;
	v31 =	vld [tilespmem:s23+$0xA180];
	v3 =	vadd.f32 v61, v3;
	v4 =	vadd.f32 v63, v4  }
0xee: {  	v33 =	vld [tilespmem:s23+$0xA200];
	v30 =	vshll.u32 v21, $0x10;
	v5 =	vadd.f32 v21, v5;
	v6 =	vadd.f32 v23, v6  }
0xef: {  	v35 =	vld [tilespmem:s23+$0xA280];
	v32 =	vshll.u32 v23, $0x10;
	v8 =	vadd.f32 v26, v8;
	v7 =	vadd.f32 v28, v7  }
0xf0: {  	v37 =	vld [tilespmem:s23+$0xA300];
	v34 =	vshll.u32 v25, $0x10;
	v9 =	vadd.f32 v30, v9;
	v10 =	vadd.f32 v32, v10  }
0xf1: {  	v39 =	vld [tilespmem:s23+$0xA380];
	v36 =	vshll.u32 v27, $0x10;
	v3 =	vadd.f32 v25, v3;
	v4 =	vadd.f32 v27, v4  }
0xf2: {  	v41 =	vld [tilespmem:s23+$0xB000];
	v38 =	vshll.u32 v29, $0x10;
	v5 =	vadd.f32 v29, v5;
	v6 =	vadd.f32 v31, v6  }
0xf3: {  	v43 =	vld [tilespmem:s23+$0xB080];
	v40 =	vshll.u32 v31, $0x10;
	v8 =	vadd.f32 v34, v8;
	v7 =	vadd.f32 v36, v7  }
0xf4: {  	v45 =	vld [tilespmem:s23+$0xB100];
	v42 =	vshll.u32 v33, $0x10;
	v9 =	vadd.f32 v38, v9;
	v10 =	vadd.f32 v40, v10  }
0xf5: {  	v47 =	vld [tilespmem:s23+$0xB180];
	v44 =	vshll.u32 v35, $0x10;
	v3 =	vadd.f32 v33, v3;
	v4 =	vadd.f32 v35, v4  }
0xf6: {  	v49 =	vld [tilespmem:s23+$0xB200];
	v46 =	vshll.u32 v37, $0x10;
	v5 =	vadd.f32 v37, v5;
	v6 =	vadd.f32 v39, v6  }
0xf7: {  	v51 =	vld [tilespmem:s23+$0xB280];
	v48 =	vshll.u32 v39, $0x10;
	v8 =	vadd.f32 v42, v8;
	v7 =	vadd.f32 v44, v7  }
0xf8: {  	v53 =	vld [tilespmem:s23+$0xB300];
	v50 =	vshll.u32 v41, $0x10;
	v9 =	vadd.f32 v46, v9;
	v10 =	vadd.f32 v48, v10  }
0xf9: {  	v55 =	vld [tilespmem:s23+$0xB380];
	v52 =	vshll.u32 v43, $0x10;
	v3 =	vadd.f32 v41, v3;
	v4 =	vadd.f32 v43, v4  }
0xfa: {  	v54 =	vshll.u32 v45, $0x10;
	v5 =	vadd.f32 v45, v5;
	v6 =	vadd.f32 v47, v6  }
0xfb: {  	v56 =	vshll.u32 v47, $0x10;
	v8 =	vadd.f32 v50, v8;
	v7 =	vadd.f32 v52, v7  }
0xfc: {  	v57 =	vshll.u32 v49, $0x10;
	v9 =	vadd.f32 v54, v9;
	v10 =	vadd.f32 v56, v10  }
0xfd: {  	v58 =	vshll.u32 v51, $0x10;
	v3 =	vadd.f32 v49, v3;
	v4 =	vadd.f32 v51, v4  }
0xfe: {  	v59 =	vshll.u32 v53, $0x10;
	v5 =	vadd.f32 v53, v5;
	v6 =	vadd.f32 v55, v6  }
0xff: {  	v60 =	vshll.u32 v55, $0x10;
	v8 =	vadd.f32 v57, v8;
	v7 =	vadd.f32 v58, v7  }
0x100: {  	v9 =	vadd.f32 v59, v9;
	v10 =	vadd.f32 v60, v10  }
0x101: {  	s29 =	sshll.u32 s21, $0x5;
	p0 =	sne.s32 s21, $0x1B;
	v3 =	vadd.f32 v4, v3;
	v62 =	vadd.f32 v6, v5  }
.Ltmp4:
0x102: {  	s23 =	sand.u32 $0x3FFFFF00, s29;
	v7 =	vadd.f32 v7, v8;
	v61 =	vadd.f32 v10, v9;
	(pc) =	sbr.rel @p0 .LBB2_3-.Ltmp4, $4  }
0x103: {  	s23 =	sadd.s32 s23, s19;
	v3 =	vadd.f32 v62, v3  }
0x104: {  	s22 =	sadd.s32 s22, s23;
	v63 =	vadd.f32 v61, v7  }
0x105: {  	[tilespmem:s22+$0x80] =	vst v3  }
0x106: {  	s20 =	sadd.s32 $0x10, s20;
	s21 =	sadd.s32 $0x1, s21;
	[tilespmem:s22+$0x0] =	vst v63  }
0x107: {  	p0 =	seq.s32 s18, $0x7F  }
.Ltmp5:
0x108: {  	_ = 	snop;
	(pc) =	sbr.rel @p0 .LBB2_6-.Ltmp5, $1  }
0x109: {  	_ =	sdelay $0x3  }
0x10a: {  	s20 =	sshll.u32 s18, $0x7  }
0x10b: {  	s20 =	sand.u32 $0x3FFFFF80, s20  }
0x10c: {  	v3 =	vld [tilespmem:s20+$0x80];
	_ =	sdelay $0x4  }
0x10d: {  	v4 =	vshll.u32 v3, $0x2  }
0x10e: {  	v3 =	vand.u32 $0x7, v3;
	v4 =	vand.u32 $0xFFFFFFE0, v4  }
0x10f: {  	v3 =	vor.u32 v3, v4  }
0x110: {  	v4 =	vperm.xlane v3, v0;
	_ =	sdelay $0x1  }
0x111: {  	v4 =	vadd.s32 v1, v4;
	_ =	sdelay $0x1  }
0x112: {  	v3 =	vperm.xlane v3, v2;
	_ =	sdelay $0x1  }
0x113: {  	s21 =	simm.s32 $0x4000;
	v3 =	vadd.s32 v1, v3  }
0x114: {  	[tilespmem:s21], [sflag:$0x1] =	stream.indirect_vreg.gather [hbm4b:s5+s3], $0x80, v4, vm0, $0xb8;
	[tilespmem:$0x14F00] =	vst v63  }
0x115: {  	s29 =	simm.s32 $0x4800  }
0x116: {  	[tilespmem:s29], [sflag:$0x1] =	stream.indirect_vreg.gather [hbm4b:s7+s3], $0x80, v4, vm0, $0xb8;
	[tilespmem:$0x14F00] =	vst v63  }
0x117: {  	s22 =	simm.s32 $0x5000  }
0x118: {  	[tilespmem:s22], [sflag:$0x1] =	stream.indirect_vreg.gather [hbm4b:s5+s3], $0x80, v3, vm0, $0xb8;
	[tilespmem:$0x14F00] =	vst v63  }
0x119: {  	s23 =	simm.s32 $0x5800  }
0x11a: {  	[tilespmem:s23], [sflag:$0x1] =	stream.indirect_vreg.gather [hbm4b:s7+s3], $0x80, v3, vm0, $0xb8;
	[tilespmem:$0x14F00] =	vst v63  }
0x11b: {  	v3 =	vld [tilespmem:s20+$0x90];
	_ =	sdelay $0x4  }
0x11c: {  	v61 =	vshll.u32 v3, $0x2  }
0x11d: {  	v3 =	vand.u32 $0x7, v3;
	v4 =	vand.u32 $0xFFFFFFE0, v61  }
0x11e: {  	v3 =	vor.u32 v3, v4  }
0x11f: {  	v4 =	vperm.xlane v3, v0;
	_ =	sdelay $0x1  }
0x120: {  	v4 =	vadd.s32 v1, v4;
	_ =	sdelay $0x1  }
0x121: {  	v3 =	vperm.xlane v3, v2;
	_ =	sdelay $0x1  }
0x122: {  	s24 =	simm.s32 $0x6000;
	v3 =	vadd.s32 v1, v3  }
0x123: {  	[tilespmem:s24], [sflag:$0x1] =	stream.indirect_vreg.gather [hbm4b:s5+s3], $0x80, v4, vm0, $0xb8;
	[tilespmem:$0x14F00] =	vst v63  }
0x124: {  	s25 =	simm.s32 $0x6800  }
0x125: {  	[tilespmem:s25], [sflag:$0x1] =	stream.indirect_vreg.gather [hbm4b:s7+s3], $0x80, v4, vm0, $0xb8;
	[tilespmem:$0x14F00] =	vst v63  }
0x126: {  	s26 =	simm.s32 $0x7000  }
0x127: {  	[tilespmem:s26], [sflag:$0x1] =	stream.indirect_vreg.gather [hbm4b:s5+s3], $0x80, v3, vm0, $0xb8;
	[tilespmem:$0x14F00] =	vst v63  }
0x128: {  	s28 =	simm.s32 $0x7800  }
0x129: {  	[tilespmem:s28], [sflag:$0x1] =	stream.indirect_vreg.gather [hbm4b:s7+s3], $0x80, v3, vm0, $0xb8;
	[tilespmem:$0x14F00] =	vst v63  }
0x12a: {  	v3 =	vld [tilespmem:s20+$0xA0];
	_ =	sdelay $0x4  }
0x12b: {  	v62 =	vshll.u32 v3, $0x2  }
0x12c: {  	v3 =	vand.u32 $0x7, v3;
	v4 =	vand.u32 $0xFFFFFFE0, v62  }
0x12d: {  	v3 =	vor.u32 v3, v4  }
0x12e: {  	v4 =	vperm.xlane v3, v0;
	_ =	sdelay $0x1  }
0x12f: {  	v4 =	vadd.s32 v1, v4;
	_ =	sdelay $0x1  }
0x130: {  	v3 =	vperm.xlane v3, v2;
	_ =	sdelay $0x1  }
0x131: {  	s29 =	simm.s32 $0x8000;
	v3 =	vadd.s32 v1, v3  }
0x132: {  	[tilespmem:s29], [sflag:$0x1] =	stream.indirect_vreg.gather [hbm4b:s5+s3], $0x80, v4, vm0, $0xb8;
	[tilespmem:$0x14F00] =	vst v63  }
0x133: {  	s22 =	simm.s32 $0x8800  }
0x134: {  	[tilespmem:s22], [sflag:$0x1] =	stream.indirect_vreg.gather [hbm4b:s7+s3], $0x80, v4, vm0, $0xb8;
	[tilespmem:$0x14F00] =	vst v63  }
0x135: {  	s23 =	simm.s32 $0x9000  }
0x136: {  	[tilespmem:s23], [sflag:$0x1] =	stream.indirect_vreg.gather [hbm4b:s5+s3], $0x80, v3, vm0, $0xb8;
	[tilespmem:$0x14F00] =	vst v63  }
0x137: {  	s24 =	simm.s32 $0x9800  }
0x138: {  	[tilespmem:s24], [sflag:$0x1] =	stream.indirect_vreg.gather [hbm4b:s7+s3], $0x80, v3, vm0, $0xb8;
	[tilespmem:$0x14F00] =	vst v63  }
0x139: {  	v3 =	vld [tilespmem:s20+$0xB0];
	_ =	sdelay $0x4  }
0x13a: {  	v63 =	vshll.u32 v3, $0x2  }
0x13b: {  	v3 =	vand.u32 $0x7, v3;
	v4 =	vand.u32 $0xFFFFFFE0, v63  }
0x13c: {  	v3 =	vor.u32 v3, v4  }
0x13d: {  	v4 =	vperm.xlane v3, v0;
	_ =	sdelay $0x1  }
0x13e: {  	v4 =	vadd.s32 v1, v4;
	_ =	sdelay $0x1  }
0x13f: {  	v3 =	vperm.xlane v3, v2;
	_ =	sdelay $0x1  }
0x140: {  	s25 =	simm.s32 $0xA000;
	v3 =	vadd.s32 v1, v3  }
0x141: {  	[tilespmem:s25], [sflag:$0x1] =	stream.indirect_vreg.gather [hbm4b:s5+s3], $0x80, v4, vm0, $0xb8;
	[tilespmem:$0x14F00] =	vst v63  }
0x142: {  	s26 =	simm.s32 $0xA800  }
0x143: {  	[tilespmem:s26], [sflag:$0x1] =	stream.indirect_vreg.gather [hbm4b:s7+s3], $0x80, v4, vm0, $0xb8;
	[tilespmem:$0x14F00] =	vst v63  }
0x144: {  	s28 =	simm.s32 $0xB000  }
0x145: {  	[tilespmem:s28], [sflag:$0x1] =	stream.indirect_vreg.gather [hbm4b:s5+s3], $0x80, v3, vm0, $0xb8;
	[tilespmem:$0x14F00] =	vst v63  }
0x146: {  	s29 =	simm.s32 $0xB800  }
0x147: {  	[tilespmem:s29], [sflag:$0x1] =	stream.indirect_vreg.gather [hbm4b:s7+s3], $0x80, v3, vm0, $0xb8;
	[tilespmem:$0x14F00] =	vst v63  }
.LBB2_6:
0x148: {  	_ =	swait.ge [sflag:s17], $0x8000;
	s21 =	sshll.u32 s18, $0x7;
	s23 =	simm.s32 $0x380  }
0x149: {  	s24 =	simm.s32 $0x0;
	[sflag:s17] =	ssyncset.done $0x0;
	s20 =	sand.u32 $0x80, s21  }
0x14a: {  	s25 =	simm.s32 $0x0;
	[sflag:s17] =	ssyncadd.s32 $0xFFFF8000;
	s22 =	sor.u32 $0x14000, s20;
	v3 =	vmov s20  }
.LBB2_7:
0x14b: {  	s28 =	sshll.u32 s25, $0x7  }
0x14c: {  	s26 =	sand.u32 $0x70, s24;
	s28 =	sand.u32 $0x3FFFFC00, s28  }
0x14d: {  	s28 =	sor.u32 s26, s28  }
0x14e: {  	v4 =	vld [tilespmem:s28+$0xC000]  }
0x14f: {  	v5 =	vld [tilespmem:s28+$0xC080]  }
0x150: {  	v6 =	vld [tilespmem:s28+$0xC100]  }
0x151: {  	v7 =	vld [tilespmem:s28+$0xC180]  }
0x152: {  	v8 =	vld [tilespmem:s28+$0xC200]  }
0x153: {  	v9 =	vld [tilespmem:s28+$0xC280]  }
0x154: {  	v10 =	vld [tilespmem:s28+$0xC300]  }
0x155: {  	v11 =	vld [tilespmem:s28+$0xC380]  }
0x156: {  	v12 =	vld [tilespmem:s28+$0xD000]  }
0x157: {  	v13 =	vld [tilespmem:s28+$0xD080]  }
0x158: {  	v15 =	vld [tilespmem:s28+$0xD100]  }
0x159: {  	v17 =	vld [tilespmem:s28+$0xD180];
	v14 =	vshll.u32 v4, $0x10;
	v16 =	vshll.u32 v5, $0x10;
	v4 =	vadd.f32 $0.0e+00, v4  }
0x15a: {  	v19 =	vld [tilespmem:s28+$0xD200];
	v18 =	vshll.u32 v6, $0x10;
	v5 =	vadd.f32 $0.0e+00, v5;
	v20 =	vshll.u32 v7, $0x10  }
0x15b: {  	v21 =	vld [tilespmem:s28+$0xD280];
	v6 =	vadd.f32 $0.0e+00, v6;
	v22 =	vshll.u32 v8, $0x10;
	v7 =	vadd.f32 $0.0e+00, v7  }
0x15c: {  	v23 =	vld [tilespmem:s28+$0xD300];
	v29 =	vshll.u32 v9, $0x10;
	v31 =	vshll.u32 v10, $0x10;
	v34 =	vshll.u32 v11, $0x10  }
0x15d: {  	v24 =	vld [tilespmem:s28+$0xD380];
	v37 =	vshll.u32 v12, $0x10;
	v14 =	vadd.f32 $0.0e+00, v14;
	v16 =	vadd.f32 $0.0e+00, v16  }
0x15e: {  	v32 =	vld [tilespmem:s28+$0xE000];
	v40 =	vshll.u32 v13, $0x10;
	v18 =	vadd.f32 $0.0e+00, v18;
	v20 =	vadd.f32 $0.0e+00, v20  }
0x15f: {  	v35 =	vld [tilespmem:s28+$0xE080];
	v42 =	vshll.u32 v15, $0x10;
	v4 =	vadd.f32 v8, v4;
	v5 =	vadd.f32 v9, v5  }
0x160: {  	v38 =	vld [tilespmem:s28+$0xE100];
	v44 =	vshll.u32 v17, $0x10;
	v6 =	vadd.f32 v10, v6;
	v7 =	vadd.f32 v11, v7  }
0x161: {  	v41 =	vld [tilespmem:s28+$0xE180];
	v46 =	vshll.u32 v19, $0x10;
	v14 =	vadd.f32 v22, v14;
	v30 =	vadd.f32 v29, v16  }
0x162: {  	v43 =	vld [tilespmem:s28+$0xE200];
	v48 =	vshll.u32 v21, $0x10;
	v33 =	vadd.f32 v31, v18;
	v36 =	vadd.f32 v34, v20  }
0x163: {  	v45 =	vld [tilespmem:s28+$0xE280];
	v50 =	vshll.u32 v23, $0x10;
	v4 =	vadd.f32 v12, v4;
	v5 =	vadd.f32 v13, v5  }
0x164: {  	v47 =	vld [tilespmem:s28+$0xE300];
	v52 =	vshll.u32 v24, $0x10;
	v6 =	vadd.f32 v15, v6;
	v7 =	vadd.f32 v17, v7  }
0x165: {  	v49 =	vld [tilespmem:s28+$0xE380];
	v54 =	vshll.u32 v32, $0x10;
	v39 =	vadd.f32 v37, v14;
	v8 =	vadd.f32 v40, v30  }
0x166: {  	v51 =	vld [tilespmem:s28+$0xF000];
	v56 =	vshll.u32 v35, $0x10;
	v9 =	vadd.f32 v42, v33;
	v10 =	vadd.f32 v44, v36  }
0x167: {  	v53 =	vld [tilespmem:s28+$0xF080];
	v58 =	vshll.u32 v38, $0x10;
	v4 =	vadd.f32 v19, v4;
	v5 =	vadd.f32 v21, v5  }
0x168: {  	v55 =	vld [tilespmem:s28+$0xF100];
	v60 =	vshll.u32 v41, $0x10;
	v6 =	vadd.f32 v23, v6;
	v7 =	vadd.f32 v24, v7  }
0x169: {  	v57 =	vld [tilespmem:s28+$0xF180];
	v62 =	vshll.u32 v43, $0x10;
	v11 =	vadd.f32 v46, v39;
	v8 =	vadd.f32 v48, v8  }
0x16a: {  	v59 =	vld [tilespmem:s28+$0xF200];
	v27 =	vshll.u32 v45, $0x10;
	v9 =	vadd.f32 v50, v9;
	v10 =	vadd.f32 v52, v10  }
0x16b: {  	v61 =	vld [tilespmem:s28+$0xF280];
	v29 =	vshll.u32 v47, $0x10;
	v4 =	vadd.f32 v32, v4;
	v5 =	vadd.f32 v35, v5  }
0x16c: {  	v63 =	vld [tilespmem:s28+$0xF300];
	v31 =	vshll.u32 v49, $0x10;
	v6 =	vadd.f32 v38, v6;
	v7 =	vadd.f32 v41, v7  }
0x16d: {  	v28 =	vld [tilespmem:s28+$0xF380];
	v33 =	vshll.u32 v51, $0x10;
	v11 =	vadd.f32 v54, v11;
	v8 =	vadd.f32 v56, v8  }
0x16e: {  	v34 =	vld [tilespmem:s28+$0x10100];
	v37 =	vshll.u32 v55, $0x10;
	v9 =	vadd.f32 v58, v9;
	v10 =	vadd.f32 v60, v10  }
0x16f: {  	v30 =	vld [tilespmem:s28+$0x10000];
	v39 =	vshll.u32 v57, $0x10;
	v4 =	vadd.f32 v43, v4;
	v5 =	vadd.f32 v45, v5  }
0x170: {  	v36 =	vld [tilespmem:s28+$0x10180];
	v35 =	vshll.u32 v53, $0x10;
	v6 =	vadd.f32 v47, v6;
	v7 =	vadd.f32 v49, v7  }
0x171: {  	v44 =	vld [tilespmem:s28+$0x10380];
	v41 =	vshll.u32 v59, $0x10;
	v11 =	vadd.f32 v62, v11;
	v8 =	vadd.f32 v27, v8  }
0x172: {  	v40 =	vld [tilespmem:s28+$0x10280];
	v43 =	vshll.u32 v61, $0x10;
	v9 =	vadd.f32 v29, v9;
	v10 =	vadd.f32 v31, v10  }
0x173: {  	v42 =	vld [tilespmem:s28+$0x10300];
	v45 =	vshll.u32 v63, $0x10;
	v4 =	vadd.f32 v51, v4;
	v5 =	vadd.f32 v53, v5  }
0x174: {  	v46 =	vld [tilespmem:s28+$0x11000];
	v47 =	vshll.u32 v28, $0x10;
	v6 =	vadd.f32 v55, v6;
	v7 =	vadd.f32 v57, v7  }
0x175: {  	v32 =	vld [tilespmem:s28+$0x10080];
	v49 =	vshll.u32 v30, $0x10;
	v11 =	vadd.f32 v33, v11;
	v8 =	vadd.f32 v35, v8  }
0x176: {  	v38 =	vld [tilespmem:s28+$0x10200];
	v62 =	vshll.u32 v44, $0x10;
	v9 =	vadd.f32 v37, v9;
	v10 =	vadd.f32 v39, v10  }
0x177: {  	v48 =	vld [tilespmem:s28+$0x11080];
	v53 =	vshll.u32 v34, $0x10;
	v4 =	vadd.f32 v59, v4;
	v5 =	vadd.f32 v61, v5  }
0x178: {  	v50 =	vld [tilespmem:s28+$0x11100];
	v55 =	vshll.u32 v36, $0x10;
	v6 =	vadd.f32 v63, v6;
	v7 =	vadd.f32 v28, v7  }
0x179: {  	v52 =	vld [tilespmem:s28+$0x11180];
	v31 =	vshll.u32 v46, $0x10;
	v11 =	vadd.f32 v41, v11;
	v8 =	vadd.f32 v43, v8  }
0x17a: {  	v54 =	vld [tilespmem:s28+$0x11200];
	v51 =	vshll.u32 v32, $0x10;
	v9 =	vadd.f32 v45, v9;
	v10 =	vadd.f32 v47, v10  }
0x17b: {  	v56 =	vld [tilespmem:s28+$0x11280];
	v57 =	vshll.u32 v38, $0x10;
	v4 =	vadd.f32 v30, v4;
	v5 =	vadd.f32 v32, v5  }
0x17c: {  	v58 =	vld [tilespmem:s28+$0x11300];
	v59 =	vshll.u32 v40, $0x10;
	v6 =	vadd.f32 v34, v6;
	v7 =	vadd.f32 v36, v7  }
0x17d: {  	v60 =	vld [tilespmem:s28+$0x11380];
	v61 =	vshll.u32 v42, $0x10;
	v11 =	vadd.f32 v49, v11;
	v8 =	vadd.f32 v51, v8  }
0x17e: {  	v33 =	vld [tilespmem:s28+$0x12180];
	v32 =	vshll.u32 v48, $0x10;
	v9 =	vadd.f32 v53, v9;
	v10 =	vadd.f32 v55, v10  }
0x17f: {  	v35 =	vld [tilespmem:s28+$0x12200];
	v34 =	vshll.u32 v50, $0x10;
	v4 =	vadd.f32 v38, v4;
	v5 =	vadd.f32 v40, v5  }
0x180: {  	v37 =	vld [tilespmem:s28+$0x12280];
	v36 =	vshll.u32 v52, $0x10;
	v6 =	vadd.f32 v42, v6;
	v7 =	vadd.f32 v44, v7  }
0x181: {  	v39 =	vld [tilespmem:s28+$0x12300];
	v38 =	vshll.u32 v54, $0x10;
	v40 =	vshll.u32 v56, $0x10;
	v42 =	vshll.u32 v58, $0x10  }
0x182: {  	v26 =	vld [tilespmem:s28+$0x13200];
	v44 =	vshll.u32 v60, $0x10;
	v11 =	vadd.f32 v57, v11;
	v8 =	vadd.f32 v59, v8  }
0x183: {  	v28 =	vld [tilespmem:s28+$0x13300];
	v25 =	vshll.u32 v33, $0x10;
	v9 =	vadd.f32 v61, v9;
	v10 =	vadd.f32 v62, v10  }
0x184: {  	v19 =	vld [tilespmem:s28+$0x12000];
	v51 =	vshll.u32 v35, $0x10;
	v4 =	vadd.f32 v46, v4;
	v5 =	vadd.f32 v48, v5  }
0x185: {  	v63 =	vld [tilespmem:s28+$0x12080];
	v53 =	vshll.u32 v37, $0x10;
	v6 =	vadd.f32 v50, v6;
	v7 =	vadd.f32 v52, v7  }
0x186: {  	v23 =	vld [tilespmem:s28+$0x12100];
	v27 =	vshll.u32 v39, $0x10;
	v11 =	vadd.f32 v31, v11;
	v8 =	vadd.f32 v32, v8  }
0x187: {  	v45 =	vld [tilespmem:s28+$0x13080];
	v59 =	vshll.u32 v26, $0x10;
	v9 =	vadd.f32 v34, v9;
	v10 =	vadd.f32 v36, v10  }
0x188: {  	v47 =	vld [tilespmem:s28+$0x13100];
	v61 =	vshll.u32 v28, $0x10;
	v4 =	vadd.f32 v54, v4;
	v5 =	vadd.f32 v56, v5  }
0x189: {  	v41 =	vld [tilespmem:s28+$0x12380];
	v46 =	vshll.u32 v19, $0x10;
	v6 =	vadd.f32 v58, v6;
	v7 =	vadd.f32 v60, v7  }
0x18a: {  	v43 =	vld [tilespmem:s28+$0x13000];
	v48 =	vshll.u32 v63, $0x10;
	v11 =	vadd.f32 v38, v11;
	v8 =	vadd.f32 v40, v8  }
0x18b: {  	v49 =	vld [tilespmem:s28+$0x13180];
	v50 =	vshll.u32 v23, $0x10;
	v9 =	vadd.f32 v42, v9;
	v10 =	vadd.f32 v44, v10  }
0x18c: {  	v52 =	vld [tilespmem:s28+$0x13280];
	v29 =	vshll.u32 v45, $0x10;
	v11 =	vadd.f32 v46, v11;
	v8 =	vadd.f32 v48, v8  }
0x18d: {  	v55 =	vld [tilespmem:s28+$0x13380];
	v57 =	vshll.u32 v47, $0x10;
	v9 =	vadd.f32 v50, v9;
	v10 =	vadd.f32 v25, v10  }
0x18e: {  	v54 =	vshll.u32 v41, $0x10;
	v11 =	vadd.f32 v51, v11;
	v8 =	vadd.f32 v53, v8  }
0x18f: {  	v56 =	vshll.u32 v43, $0x10;
	v9 =	vadd.f32 v27, v9;
	v10 =	vadd.f32 v54, v10  }
0x190: {  	s29 =	sshll.u32 s25, $0x5;
	v58 =	vshll.u32 v49, $0x10;
	v11 =	vadd.f32 v56, v11;
	v8 =	vadd.f32 v29, v8  }
0x191: {  	s28 =	sand.u32 $0xFFFFFF00, s29;
	v60 =	vshll.u32 v52, $0x10;
	v9 =	vadd.f32 v57, v9;
	v10 =	vadd.f32 v58, v10  }
0x192: {  	s29 =	sadd.s32 s28, s19;
	v62 =	vshll.u32 v55, $0x10;
	v11 =	vadd.f32 v59, v11;
	v8 =	vadd.f32 v60, v8  }
0x193: {  	s29 =	sadd.s32 s26, s29;
	v9 =	vadd.f32 v61, v9;
	v10 =	vadd.f32 v62, v10  }
0x194: {  	v4 =	vadd.f32 v19, v4;
	v5 =	vadd.f32 v63, v5;
	v63 =	vld [tilespmem:s29+$0x0]  }
0x195: {  	v8 =	vadd.f32 v8, v11;
	v9 =	vadd.f32 v10, v9  }
0x196: {  	v6 =	vadd.f32 v23, v6;
	v7 =	vadd.f32 v33, v7  }
0x197: {  	v4 =	vadd.f32 v35, v4;
	v8 =	vadd.f32 v9, v8  }
0x198: {  	v5 =	vadd.f32 v37, v5;
	v6 =	vadd.f32 v39, v6  }
0x199: {  	v7 =	vadd.f32 v41, v7;
	v8 =	vadd.f32 v8, v63  }
0x19a: {  	v4 =	vadd.f32 v43, v4;
	v5 =	vadd.f32 v45, v5  }
0x19b: {  	s28 =	sadd.s32 s28, s22;
	v6 =	vadd.f32 v47, v6;
	v7 =	vadd.f32 v49, v7;
	v8 =	vmul.f32 $7.812500000e-03, v8  }
0x19c: {  	s26 =	sadd.s32 s26, s28;
	v4 =	vadd.f32 v26, v4;
	v5 =	vadd.f32 v52, v5  }
0x19d: {  	v6 =	vadd.f32 v28, v6;
	v7 =	vadd.f32 v55, v7;
	[tilespmem:s26+$0x0] =	vst v8  }
0x19e: {  	v8 =	vld [tilespmem:s29+$0x80]  }
0x19f: {  	v4 =	vadd.f32 v5, v4;
	v5 =	vadd.f32 v7, v6;
	_ =	sdelay $0x1  }
0x1a0: {  	v4 =	vadd.f32 v5, v4  }
0x1a1: {  	p1 =	sne.s32 s23, $0x6E0  }
.Ltmp6:
0x1a2: {  	v4 =	vadd.f32 v4, v8;
	(pc) =	sbr.rel @p1 .LBB2_7-.Ltmp6, $4  }
0x1a3: {  	s28 =	sadd.s32 $0x1C0, s24  }
0x1a4: {  	s26 =	sand.u32 $0x70, s28;
	s29 =	sand.u32 $0x700, s23;
	v4 =	vmul.f32 $7.812500000e-03, v4  }
0x1a5: {  	s26 =	sor.u32 s26, s29  }
0x1a6: {  	s25 =	sadd.s32 $0x1, s25;
	s24 =	sadd.s32 $0x10, s24;
	s23 =	sadd.s32 $0x20, s23;
	[tilespmem:v3+s26+$0x14000 ss:$0x1] =	vst.idx.msk $0xffff, v4  }
.Ltmp7:
0x1a7: {  	(pc) =	sbr.rel @p0 .LBB2_10-.Ltmp7, $1  }
0x1a8: {  	_ =	sdelay $0x3  }
0x1a9: {  	s19 =	sand.u32 $0x3FFFFF80, s21  }
0x1aa: {  	v3 =	vld [tilespmem:s19+$0xC0];
	_ =	sdelay $0x4  }
0x1ab: {  	v4 =	vshll.u32 v3, $0x2  }
0x1ac: {  	v3 =	vand.u32 $0x7, v3;
	v4 =	vand.u32 $0xFFFFFFE0, v4  }
0x1ad: {  	v3 =	vor.u32 v3, v4  }
0x1ae: {  	v4 =	vperm.xlane v3, v0;
	_ =	sdelay $0x1  }
0x1af: {  	v4 =	vadd.s32 v1, v4;
	_ =	sdelay $0x1  }
0x1b0: {  	v3 =	vperm.xlane v3, v2;
	_ =	sdelay $0x1  }
0x1b1: {  	s23 =	simm.s32 $0xC000;
	v3 =	vadd.s32 v1, v3  }
0x1b2: {  	[tilespmem:s23], [sflag:$0x2] =	stream.indirect_vreg.gather [hbm4b:s5+s3], $0x80, v4, vm0, $0xb8;
	[tilespmem:$0x14F00] =	vst v63  }
0x1b3: {  	s28 =	simm.s32 $0xC800  }
0x1b4: {  	[tilespmem:s28], [sflag:$0x2] =	stream.indirect_vreg.gather [hbm4b:s7+s3], $0x80, v4, vm0, $0xb8;
	[tilespmem:$0x14F00] =	vst v63  }
0x1b5: {  	s29 =	simm.s32 $0xD000  }
0x1b6: {  	[tilespmem:s29], [sflag:$0x2] =	stream.indirect_vreg.gather [hbm4b:s5+s3], $0x80, v3, vm0, $0xb8;
	[tilespmem:$0x14F00] =	vst v63  }
0x1b7: {  	_ = 	snop  }
0x1b8: {  	[tilespmem:s30], [sflag:$0x2] =	stream.indirect_vreg.gather [hbm4b:s7+s3], $0x80, v3, vm0, $0xb8;
	[tilespmem:$0x14F00] =	vst v63  }
0x1b9: {  	v3 =	vld [tilespmem:s19+$0xD0];
	_ =	sdelay $0x4  }
0x1ba: {  	v61 =	vshll.u32 v3, $0x2  }
0x1bb: {  	v3 =	vand.u32 $0x7, v3;
	v4 =	vand.u32 $0xFFFFFFE0, v61  }
0x1bc: {  	v3 =	vor.u32 v3, v4  }
0x1bd: {  	v4 =	vperm.xlane v3, v0;
	_ =	sdelay $0x1  }
0x1be: {  	v4 =	vadd.s32 v1, v4;
	_ =	sdelay $0x1  }
0x1bf: {  	v3 =	vperm.xlane v3, v2;
	_ =	sdelay $0x1  }
0x1c0: {  	v3 =	vadd.s32 v1, v3  }
0x1c1: {  	[tilespmem:s31], [sflag:$0x2] =	stream.indirect_vreg.gather [hbm4b:s5+s3], $0x80, v4, vm0, $0xb8;
	[tilespmem:$0x14F00] =	vst v63  }
0x1c2: {  	_ = 	snop  }
0x1c3: {  	[tilespmem:s0], [sflag:$0x2] =	stream.indirect_vreg.gather [hbm4b:s7+s3], $0x80, v4, vm0, $0xb8;
	[tilespmem:$0x14F00] =	vst v63  }
0x1c4: {  	_ = 	snop  }
0x1c5: {  	[tilespmem:s1], [sflag:$0x2] =	stream.indirect_vreg.gather [hbm4b:s5+s3], $0x80, v3, vm0, $0xb8;
	[tilespmem:$0x14F00] =	vst v63  }
0x1c6: {  	_ = 	snop  }
0x1c7: {  	[tilespmem:s6], [sflag:$0x2] =	stream.indirect_vreg.gather [hbm4b:s7+s3], $0x80, v3, vm0, $0xb8;
	[tilespmem:$0x14F00] =	vst v63  }
0x1c8: {  	v3 =	vld [tilespmem:s19+$0xE0];
	_ =	sdelay $0x4  }
0x1c9: {  	v62 =	vshll.u32 v3, $0x2  }
0x1ca: {  	v3 =	vand.u32 $0x7, v3;
	v4 =	vand.u32 $0xFFFFFFE0, v62  }
0x1cb: {  	v3 =	vor.u32 v3, v4  }
0x1cc: {  	v4 =	vperm.xlane v3, v0;
	_ =	sdelay $0x1  }
0x1cd: {  	v4 =	vadd.s32 v1, v4;
	_ =	sdelay $0x1  }
0x1ce: {  	v3 =	vperm.xlane v3, v2;
	_ =	sdelay $0x1  }
0x1cf: {  	v3 =	vadd.s32 v1, v3  }
0x1d0: {  	[tilespmem:s8], [sflag:$0x2] =	stream.indirect_vreg.gather [hbm4b:s5+s3], $0x80, v4, vm0, $0xb8;
	[tilespmem:$0x14F00] =	vst v63  }
0x1d1: {  	_ = 	snop  }
0x1d2: {  	[tilespmem:s9], [sflag:$0x2] =	stream.indirect_vreg.gather [hbm4b:s7+s3], $0x80, v4, vm0, $0xb8;
	[tilespmem:$0x14F00] =	vst v63  }
0x1d3: {  	_ = 	snop  }
0x1d4: {  	[tilespmem:s10], [sflag:$0x2] =	stream.indirect_vreg.gather [hbm4b:s5+s3], $0x80, v3, vm0, $0xb8;
	[tilespmem:$0x14F00] =	vst v63  }
0x1d5: {  	_ = 	snop  }
0x1d6: {  	[tilespmem:s11], [sflag:$0x2] =	stream.indirect_vreg.gather [hbm4b:s7+s3], $0x80, v3, vm0, $0xb8;
	[tilespmem:$0x14F00] =	vst v63  }
0x1d7: {  	v3 =	vld [tilespmem:s19+$0xF0];
	_ =	sdelay $0x4  }
0x1d8: {  	v63 =	vshll.u32 v3, $0x2  }
0x1d9: {  	v3 =	vand.u32 $0x7, v3;
	v4 =	vand.u32 $0xFFFFFFE0, v63  }
0x1da: {  	v3 =	vor.u32 v3, v4  }
0x1db: {  	v4 =	vperm.xlane v3, v0;
	_ =	sdelay $0x1  }
0x1dc: {  	v4 =	vadd.s32 v1, v4;
	_ =	sdelay $0x2  }
0x1dd: {  	v3 =	vperm.xlane v3, v2;
	_ =	sdelay $0x1  }
0x1de: {  	v3 =	vadd.s32 v1, v3;
	[tilespmem:s12], [sflag:$0x2] =	stream.indirect_vreg.gather [hbm4b:s5+s3], $0x80, v4, vm0, $0xb8;
	[tilespmem:$0x14F00] =	vst v63  }
0x1df: {  	_ = 	snop  }
0x1e0: {  	[tilespmem:s13], [sflag:$0x2] =	stream.indirect_vreg.gather [hbm4b:s7+s3], $0x80, v4, vm0, $0xb8;
	[tilespmem:$0x14F00] =	vst v63  }
.Ltmp8:
0x1e1: {  	_ = 	snop;
	(pc) =	sbr.rel .LBB2_10-.Ltmp8, $4  }
0x1e2: {  	_ = 	snop  }
0x1e3: {  	[tilespmem:s14], [sflag:$0x2] =	stream.indirect_vreg.gather [hbm4b:s5+s3], $0x80, v3, vm0, $0xb8;
	[tilespmem:$0x14F00] =	vst v63  }
0x1e4: {  	_ = 	snop  }
0x1e5: {  	[tilespmem:s15], [sflag:$0x2] =	stream.indirect_vreg.gather [hbm4b:s7+s3], $0x80, v3, vm0, $0xb8;
	[tilespmem:$0x14F00] =	vst v63  }
.LBB2_12:
0x1e6: {  	_ =	sfence.sel $0x180000  }
0x1e7: {  	[bflag:$0x0] =	sbarrier.arrive $0xFFFF  }
0x1e8: {  	_ =	strace $0x90000047  }
0x1e9: {  	s0 =	stileid.u32;
	[bflag:$0x2] =	sbarrier.arrive $0xFFFF  }
0x1ea: {  	p0 =	sne.s32 s0, $0x0;
	s0 =	rddreg [dreg:$0x3]  }
0x1eb: {  	s0 =	sadd.s32 @!p0 $0x100000, s0  }
0x1ec: {  	[sflag:s0] =	ssyncadd.tile.s32 @!p0 $0x1;
	_ =	shalt  }
.Lfunc_end2:
_tile_overlayer_lowered:
.L_overlay_start_2:
0x1ed: {  	(tag) =	ssettag $0x2  }
0x1ee: {  	s0 =	rddreg [dreg:$0x0];
	s2 =	stileid.u32  }
0x1ef: {  	s1 =	rddreg [dreg:$0x1];
	p0 =	sne.s32 s2, $0x0  }
0x1f0: {  	s3 =	rddreg [dreg:$0x2];
	[bflag:$0x3] =	sbarrier.arrive $0xFFFF;
	s2 =	simm.s32 @!p0 $0x1C04  }
0x1f1: {  	[timem:s3], [sflag:s2] =	dma.local @!p0 [hbm:s0], s1  }
0x1f2: {  	s0 =	simm.s32 @!p0 $0x4  }
0x1f3: {  	_ =	swait.ge @!p0 [sflag:s0], s1  }
0x1f4: {  	s1 =	ssub.s32 @!p0 $0x0, s1;
	[sflag:s0] =	ssyncset.done @!p0 $0x0  }
0x1f5: {  	[sflag:s0] =	ssyncadd.s32 @!p0 s1  }
0x1f6: {  	[bflag:$0x3] =	sbarrier.arrive $0xFFFF  }
0x1f7: {  	_ =	shalt  }

</sc_bundles>
